<compile_context>
chip_gen: v7x
topology: tpu7x:2x2x1
jax: 0.10.2.dev20260603
libtpu: 0.0.44.dev20260713+nightly
codegen_flags: <defaults>
</compile_context>

<pallas_src>
import functools

import jax
import jax.numpy as jnp
from jax import lax
from jax.experimental import pallas as pl
from jax.experimental.pallas import tpu as pltpu
from jax.experimental.pallas import tpu_sc as plsc

NC = 2
NS = 16
NW = NC * NS
IW = 128
K = 4


def _emb_call(b, h, d):
    n = b * h
    n_per_w = n // NW
    s_per_w = b // NW
    c = K * IW
    n_groups = n_per_w // c
    assert n_groups % 2 == 0
    n_rep = n_per_w // 16
    mesh = plsc.VectorSubcoreMesh(
        core_axis_name="c", subcore_axis_name="s",
        num_cores=NC, num_subcores=NS)

    @functools.partial(
        pl.kernel,
        out_type=jax.ShapeDtypeStruct((n, d), jnp.float32),
        mesh=mesh,
        scratch_types=[
            pltpu.VMEM((s_per_w, h), jnp.int32),
            pltpu.VMEM((n_per_w // IW, IW), jnp.int32),
            pltpu.VMEM((2, c, d), jnp.float32),
            pltpu.SemaphoreType.DMA,
            pltpu.SemaphoreType.DMA,
        ],
        compiler_params=pltpu.CompilerParams(
            use_tc_tiling_on_sc=False, needs_layout_passes=False),
    )
    def emb(ids_hbm, table_hbm, out_hbm, stage_v, idx_v, rows_v, sem0, sem1):
        wid = lax.axis_index("s") * NC + lax.axis_index("c")
        sent0 = wid * s_per_w
        base = wid * n_per_w
        lanes = lax.iota(jnp.int32, 16)

        pltpu.sync_copy(ids_hbm.at[pl.ds(sent0, s_per_w)], stage_v)

        def repack(i, carry):
            rel = lanes + lax.broadcast_in_dim(i * 16, (16,), ())
            hv = lax.broadcast_in_dim(jnp.int32(h), (16,), ())
            vals = plsc.load_gather(
                stage_v, [lax.div(rel, hv), lax.rem(rel, hv)])
            f = i * 16
            idx_v[f // IW, pl.ds(f % IW, 16)] = vals
            return carry

        lax.fori_loop(0, n_rep, repack, 0)

        bufs = (rows_v.at[0], rows_v.at[1])
        sems = (sem0, sem1)

        def fire(g, bf):
            for j in range(K):
                pltpu.async_copy(
                    table_hbm.at[idx_v.at[g * K + j]],
                    bufs[bf].at[pl.ds(j * IW, IW)], sems[bf])

        def drain(g, bf):
            for j in range(K):
                pltpu.make_async_copy(
                    table_hbm.at[idx_v.at[g * K + j]],
                    bufs[bf].at[pl.ds(j * IW, IW)], sems[bf]).wait()
            pltpu.sync_copy(bufs[bf], out_hbm.at[pl.ds(base + g * c, c)])

        fire(0, 0)

        def step(i, carry):
            g = 2 * i
            fire(g + 1, 1)
            drain(g, 0)
            fire(g + 2, 0)
            drain(g + 1, 1)
            return carry

        lax.fori_loop(0, n_groups // 2 - 1, step, 0)
        g = n_groups - 2
        fire(g + 1, 1)
        drain(g, 0)
        drain(g + 1, 1)

    return emb


def kernel(token_ids, p_emb):
    b, h = token_ids.shape
    v, d = p_emb.shape
    out = _emb_call(b, h, d)(token_ids.astype(jnp.int32), p_emb)
    return out.reshape(b, h, d)

# --- scband reference (transcript-rebuilt; emitter-appended) ---
"""Pipeline reference for scband-embedding-8349416423514 (READ-ONLY COPY).

The authoritative reference and input builder live on the scoring server;
editing this copy changes nothing except your own understanding.
"""

import jax, jax.numpy as jnp
import numpy as np

NUM_EMBEDDINGS = 1000000
EMBEDDING_DIM = 64
BATCH = 16384
HIST = 50

def setup_inputs(seed: int = 0) -> dict:
    key = jax.random.key(seed)
    k_idx, k_emb = jax.random.split(key)
    token_ids = jax.random.randint(k_idx, (BATCH, HIST), 0, NUM_EMBEDDINGS, dtype=jnp.int64 if jax.config.jax_enable_x64 else jnp.int32)
    # trunc_normal_(mean=0, std=1, a=-3, b=3) approximated by clipped normal
    emb = jnp.clip(jax.random.normal(k_emb, (NUM_EMBEDDINGS, EMBEDDING_DIM), dtype=jnp.float32), -3.0, 3.0)
    return {"token_ids": token_ids, "p_emb": emb}

def reference(token_ids, p_emb):
    # forward: self.p_emb[token_ids]
    return jnp.take(p_emb, token_ids, axis=0)

if __name__ == "__main__":
    import jax
    _d = setup_inputs()
    print(jax.jit(kernel)(*tuple(_d.values())))

</pallas_src>

<mosaic_0001>
#map = affine_map<(d0, d1) -> (0, 0)>
module attributes {stable_mosaic.version = 14 : i64} {
  func.func @emb(%arg0: i32, %arg1: i32, %arg2: memref<16384x50xi32, #tpu.memory_space<hbm>>, %arg3: memref<1000000x64xf32, #tpu.memory_space<hbm>>, %arg4: memref<819200x64xf32, #tpu.memory_space<hbm>>, %arg5: memref<512x50xi32, #tpu.memory_space<vmem>>, %arg6: memref<200x128xi32, #tpu.memory_space<vmem>>, %arg7: memref<2x512x64xf32, #tpu.memory_space<vmem>>, %arg8: memref<!tpu.dma_semaphore, #tpu.memory_space<semaphore_mem>>, %arg9: memref<!tpu.dma_semaphore, #tpu.memory_space<semaphore_mem>>) attributes {dimension_semantics = [#tpu.dimension_semantics<core_parallel>, #tpu.dimension_semantics<subcore_parallel>], iteration_bounds = array<i64: 2, 16>, scalar_prefetch = 0 : i64, scratch_operands = 5 : i64, tpu.core_type = #tpu.core_type<sc_vector_subcore>, window_params = [{transform_indices = #map}, {transform_indices = #map}, {transform_indices = #map}]} {
    %mul3A = arith.constant 2 : i32
    %mul3A_0 = arith.muli %arg1, %mul3A : i32
    %add3A = arith.addi %mul3A_0, %arg0 : i32
    %mul3A_1 = arith.constant 512 : i32
    %mul3A_2 = arith.muli %add3A, %mul3A_1 : i32
    %mul3A_3 = arith.constant 25600 : i32
    %mul3A_4 = arith.muli %add3A, %mul3A_3 : i32
    %iota3A = tpu.iota {dimensions = array<i32: 0>} : vector<16xi32>
    "tpu.region"() ({
      %run_scoped3A_261 = tpu.sem_alloc : memref<!tpu.dma_semaphore, #tpu.memory_space<semaphore_mem>>
      %dma_start3A_262 = arith.constant 0 : i32
      %dma_start3A_263 = tpu.memref_slice %arg2[%mul3A_2, %dma_start3A_262] : memref<16384x50xi32, #tpu.memory_space<hbm>> -> memref<512x50xi32, #tpu.memory_space<hbm>>
      %dma_start3A_264 = arith.constant 0 : i32
      %dma_start3A_265 = tpu.memref_slice %arg2[%mul3A_2, %dma_start3A_264] : memref<16384x50xi32, #tpu.memory_space<hbm>> -> memref<512x50xi32, #tpu.memory_space<hbm>>
      tpu.enqueue_dma source(%dma_start3A_265 : memref<512x50xi32, #tpu.memory_space<hbm>>) target(%arg5 : memref<512x50xi32, #tpu.memory_space<vmem>>) target_semaphore(%run_scoped3A_261 : memref<!tpu.dma_semaphore, #tpu.memory_space<semaphore_mem>>)
      %dma_wait3A_266 = arith.constant 0 : i32
      %dma_wait3A_267 = tpu.memref_slice %arg2[%mul3A_2, %dma_wait3A_266] : memref<16384x50xi32, #tpu.memory_space<hbm>> -> memref<512x50xi32, #tpu.memory_space<hbm>>
      %dma_wait3A_268 = arith.constant 0 : i32
      %dma_wait3A_269 = tpu.memref_slice %arg2[%mul3A_2, %dma_wait3A_268] : memref<16384x50xi32, #tpu.memory_space<hbm>> -> memref<512x50xi32, #tpu.memory_space<hbm>>
      tpu.wait_dma2 semaphore(%run_scoped3A_261 : memref<!tpu.dma_semaphore, #tpu.memory_space<semaphore_mem>>) src(%dma_wait3A_269 : memref<512x50xi32, #tpu.memory_space<hbm>>) dst(%arg5 : memref<512x50xi32, #tpu.memory_space<vmem>>)
      tpu.yield
    }) : () -> ()
    %scan3A = arith.constant 0 : i32
    %scan3A_5 = arith.constant 0 : i32
    %scan3A_6 = arith.constant 1600 : i32
    %scan3A_7 = arith.addi %scan3A_5, %scan3A_6 : i32
    %scan3A_8 = arith.constant 1 : i32
    scf.for %scan3A_261 = %scan3A_5 to %scan3A_7 step %scan3A_8  : i32 {
      %mul3A_262 = arith.constant 16 : i32
      %mul3A_263 = arith.muli %scan3A_261, %mul3A_262 : i32
      %broadcast_in_dim3A = vector.broadcast %mul3A_263 : i32 to vector<16xi32>
      %add3A_264 = arith.addi %iota3A, %broadcast_in_dim3A : vector<16xi32>
      %broadcast_in_dim3A_265 = arith.constant 50 : i32
      %broadcast_in_dim3A_266 = vector.broadcast %broadcast_in_dim3A_265 : i32 to vector<16xi32>
      %div3A = arith.divsi %add3A_264, %broadcast_in_dim3A_266 : vector<16xi32>
      %rem3A = arith.remsi %add3A_264, %broadcast_in_dim3A_266 : vector<16xi32>
      %gather3A = tpu.vector_load_idx %arg5[%div3A, %rem3A] : memref<512x50xi32, #tpu.memory_space<vmem>>[vector<16xi32>, vector<16xi32>], vector<16xi32>,
      %mul3A_267 = arith.constant 16 : i32
      %mul3A_268 = arith.muli %scan3A_261, %mul3A_267 : i32
      %jit3A = arith.constant 128 : i32
      %div3A_269 = arith.divsi %mul3A_268, %jit3A : i32
      %sign3A = arith.constant 0 : i32
      %sign3A_270 = arith.cmpi sgt, %mul3A_268, %sign3A : i32
      %sign3A_271 = arith.extui %sign3A_270 : i1 to i32
      %sign3A_272 = arith.constant 0 : i32
      %sign3A_273 = arith.cmpi slt, %mul3A_268, %sign3A_272 : i32
      %sign3A_274 = arith.extui %sign3A_273 : i1 to i32
      %sign3A_275 = arith.subi %sign3A_271, %sign3A_274 : i32
      %sign3A_276 = arith.constant 0 : i32
      %sign3A_277 = arith.cmpi sgt, %jit3A, %sign3A_276 : i32
      %sign3A_278 = arith.extui %sign3A_277 : i1 to i32
      %sign3A_279 = arith.constant 0 : i32
      %sign3A_280 = arith.cmpi slt, %jit3A, %sign3A_279 : i32
      %sign3A_281 = arith.extui %sign3A_280 : i1 to i32
      %sign3A_282 = arith.subi %sign3A_278, %sign3A_281 : i32
      %ne3A = arith.cmpi ne, %sign3A_275, %sign3A_282 : i32
      %rem3A_283 = arith.remsi %mul3A_268, %jit3A : i32
      %ne3A_284 = arith.constant 0 : i32
      %ne3A_285 = arith.cmpi ne, %rem3A_283, %ne3A_284 : i32
      %and3A = arith.andi %ne3A, %ne3A_285 : i1
      %sub3A = arith.constant 1 : i32
      %sub3A_286 = arith.subi %div3A_269, %sub3A : i32
      %select_n3A = arith.select %and3A, %sub3A_286, %div3A_269 : i32
      %jit3A_287 = arith.constant 128 : i32
      %eq3A = arith.constant 0 : i32
      %eq3A_288 = arith.cmpi eq, %jit3A_287, %eq3A : i32
      %jit3A_289 = arith.constant 1 : i32
      %select_n3A_290 = arith.select %eq3A_288, %jit3A_289, %jit3A_287 : i32
      %rem3A_291 = arith.remsi %mul3A_268, %select_n3A_290 : i32
      %ne3A_292 = arith.constant 0 : i32
      %ne3A_293 = arith.cmpi ne, %rem3A_291, %ne3A_292 : i32
      %lt3A = arith.constant 0 : i32
      %lt3A_294 = arith.cmpi slt, %rem3A_291, %lt3A : i32
      %lt3A_295 = arith.constant 0 : i32
      %lt3A_296 = arith.cmpi slt, %select_n3A_290, %lt3A_295 : i32
      %ne3A_297 = arith.xori %lt3A_294, %lt3A_296 : i1
      %and3A_298 = arith.andi %ne3A_297, %ne3A_293 : i1
      %add3A_299 = arith.addi %rem3A_291, %select_n3A_290 : i32
      %select_n3A_300 = arith.select %and3A_298, %add3A_299, %rem3A_291 : i32
      %swap3A = arith.index_cast %select_n3A : i32 to index
      %swap3A_301 = arith.index_cast %select_n3A_300 : i32 to index
      %swap3A_302 = tpu.vector_load %arg6[%swap3A, %swap3A_301] {strides = array<i32>} : memref<200x128xi32, #tpu.memory_space<vmem>>, vector<16xi32>,
      tpu.vector_store %arg6[%swap3A, %swap3A_301], %gather3A {strides = array<i32>} : memref<200x128xi32, #tpu.memory_space<vmem>>, vector<16xi32>,
    }
    %scan3A_9 = arith.constant 1600 : i32
    %dma_start3A = arith.constant 0 : i32
    %dma_start3A_10 = arith.constant 0 : i32
    %dma_start3A_11 = arith.constant 0 : i32
    %dma_start3A_12 = arith.constant 0 : i32
    %dma_start3A_13 = tpu.memref_slice %arg7[%dma_start3A_10, %dma_start3A_11, %dma_start3A_12] : memref<2x512x64xf32, #tpu.memory_space<vmem>> -> memref<1x512x64xf32, #tpu.memory_space<vmem>>
    %dma_start3A_14 = tpu.memref_squeeze %dma_start3A_13 : memref<1x512x64xf32, #tpu.memory_space<vmem>> -> memref<512x64xf32, #tpu.memory_space<vmem>>
    %dma_start3A_15 = arith.constant 0 : i32
    %dma_start3A_16 = arith.constant 0 : i32
    %dma_start3A_17 = tpu.memref_slice %dma_start3A_14[%dma_start3A_15, %dma_start3A_16] : memref<512x64xf32, #tpu.memory_space<vmem>> -> memref<128x64xf32, #tpu.memory_space<vmem>>
    %dma_start3A_18 = arith.constant 0 : i32
    %dma_start3A_19 = tpu.memref_slice %arg6[%dma_start3A, %dma_start3A_18] : memref<200x128xi32, #tpu.memory_space<vmem>> -> memref<1x128xi32, #tpu.memory_space<vmem>>
    %dma_start3A_20 = tpu.memref_squeeze %dma_start3A_19 : memref<1x128xi32, #tpu.memory_space<vmem>> -> memref<128xi32, #tpu.memory_space<vmem>>
    %dma_start3A_21 = arith.constant 0 : i32
    %dma_start3A_22 = arith.constant 0 : i32
    %dma_start3A_23 = tpu.memref_slice %arg3[%dma_start3A_21, %dma_start3A_22] : memref<1000000x64xf32, #tpu.memory_space<hbm>> -> memref<1000000x64xf32, #tpu.memory_space<hbm>>
    tpu.enqueue_indirect_dma source(%dma_start3A_23 : memref<1000000x64xf32, #tpu.memory_space<hbm>>) target(%dma_start3A_17 : memref<128x64xf32, #tpu.memory_space<vmem>>) offsets(%dma_start3A_20 : memref<128xi32, #tpu.memory_space<vmem>>) semaphore(%arg8 : memref<!tpu.dma_semaphore, #tpu.memory_space<semaphore_mem>>)
    %dma_start3A_24 = arith.constant 1 : i32
    %dma_start3A_25 = arith.constant 0 : i32
    %dma_start3A_26 = arith.constant 0 : i32
    %dma_start3A_27 = arith.constant 0 : i32
    %dma_start3A_28 = tpu.memref_slice %arg7[%dma_start3A_25, %dma_start3A_26, %dma_start3A_27] : memref<2x512x64xf32, #tpu.memory_space<vmem>> -> memref<1x512x64xf32, #tpu.memory_space<vmem>>
    %dma_start3A_29 = tpu.memref_squeeze %dma_start3A_28 : memref<1x512x64xf32, #tpu.memory_space<vmem>> -> memref<512x64xf32, #tpu.memory_space<vmem>>
    %dma_start3A_30 = arith.constant 128 : i32
    %dma_start3A_31 = arith.constant 0 : i32
    %dma_start3A_32 = tpu.memref_slice %dma_start3A_29[%dma_start3A_30, %dma_start3A_31] : memref<512x64xf32, #tpu.memory_space<vmem>> -> memref<128x64xf32, #tpu.memory_space<vmem>>
    %dma_start3A_33 = arith.constant 0 : i32
    %dma_start3A_34 = tpu.memref_slice %arg6[%dma_start3A_24, %dma_start3A_33] : memref<200x128xi32, #tpu.memory_space<vmem>> -> memref<1x128xi32, #tpu.memory_space<vmem>>
    %dma_start3A_35 = tpu.memref_squeeze %dma_start3A_34 : memref<1x128xi32, #tpu.memory_space<vmem>> -> memref<128xi32, #tpu.memory_space<vmem>>
    %dma_start3A_36 = arith.constant 0 : i32
    %dma_start3A_37 = arith.constant 0 : i32
    %dma_start3A_38 = tpu.memref_slice %arg3[%dma_start3A_36, %dma_start3A_37] : memref<1000000x64xf32, #tpu.memory_space<hbm>> -> memref<1000000x64xf32, #tpu.memory_space<hbm>>
    tpu.enqueue_indirect_dma source(%dma_start3A_38 : memref<1000000x64xf32, #tpu.memory_space<hbm>>) target(%dma_start3A_32 : memref<128x64xf32, #tpu.memory_space<vmem>>) offsets(%dma_start3A_35 : memref<128xi32, #tpu.memory_space<vmem>>) semaphore(%arg8 : memref<!tpu.dma_semaphore, #tpu.memory_space<semaphore_mem>>)
    %dma_start3A_39 = arith.constant 2 : i32
    %dma_start3A_40 = arith.constant 0 : i32
    %dma_start3A_41 = arith.constant 0 : i32
    %dma_start3A_42 = arith.constant 0 : i32
    %dma_start3A_43 = tpu.memref_slice %arg7[%dma_start3A_40, %dma_start3A_41, %dma_start3A_42] : memref<2x512x64xf32, #tpu.memory_space<vmem>> -> memref<1x512x64xf32, #tpu.memory_space<vmem>>
    %dma_start3A_44 = tpu.memref_squeeze %dma_start3A_43 : memref<1x512x64xf32, #tpu.memory_space<vmem>> -> memref<512x64xf32, #tpu.memory_space<vmem>>
    %dma_start3A_45 = arith.constant 256 : i32
    %dma_start3A_46 = arith.constant 0 : i32
    %dma_start3A_47 = tpu.memref_slice %dma_start3A_44[%dma_start3A_45, %dma_start3A_46] : memref<512x64xf32, #tpu.memory_space<vmem>> -> memref<128x64xf32, #tpu.memory_space<vmem>>
    %dma_start3A_48 = arith.constant 0 : i32
    %dma_start3A_49 = tpu.memref_slice %arg6[%dma_start3A_39, %dma_start3A_48] : memref<200x128xi32, #tpu.memory_space<vmem>> -> memref<1x128xi32, #tpu.memory_space<vmem>>
    %dma_start3A_50 = tpu.memref_squeeze %dma_start3A_49 : memref<1x128xi32, #tpu.memory_space<vmem>> -> memref<128xi32, #tpu.memory_space<vmem>>
    %dma_start3A_51 = arith.constant 0 : i32
    %dma_start3A_52 = arith.constant 0 : i32
    %dma_start3A_53 = tpu.memref_slice %arg3[%dma_start3A_51, %dma_start3A_52] : memref<1000000x64xf32, #tpu.memory_space<hbm>> -> memref<1000000x64xf32, #tpu.memory_space<hbm>>
    tpu.enqueue_indirect_dma source(%dma_start3A_53 : memref<1000000x64xf32, #tpu.memory_space<hbm>>) target(%dma_start3A_47 : memref<128x64xf32, #tpu.memory_space<vmem>>) offsets(%dma_start3A_50 : memref<128xi32, #tpu.memory_space<vmem>>) semaphore(%arg8 : memref<!tpu.dma_semaphore, #tpu.memory_space<semaphore_mem>>)
    %dma_start3A_54 = arith.constant 3 : i32
    %dma_start3A_55 = arith.constant 0 : i32
    %dma_start3A_56 = arith.constant 0 : i32
    %dma_start3A_57 = arith.constant 0 : i32
    %dma_start3A_58 = tpu.memref_slice %arg7[%dma_start3A_55, %dma_start3A_56, %dma_start3A_57] : memref<2x512x64xf32, #tpu.memory_space<vmem>> -> memref<1x512x64xf32, #tpu.memory_space<vmem>>
    %dma_start3A_59 = tpu.memref_squeeze %dma_start3A_58 : memref<1x512x64xf32, #tpu.memory_space<vmem>> -> memref<512x64xf32, #tpu.memory_space<vmem>>
    %dma_start3A_60 = arith.constant 384 : i32
    %dma_start3A_61 = arith.constant 0 : i32
    %dma_start3A_62 = tpu.memref_slice %dma_start3A_59[%dma_start3A_60, %dma_start3A_61] : memref<512x64xf32, #tpu.memory_space<vmem>> -> memref<128x64xf32, #tpu.memory_space<vmem>>
    %dma_start3A_63 = arith.constant 0 : i32
    %dma_start3A_64 = tpu.memref_slice %arg6[%dma_start3A_54, %dma_start3A_63] : memref<200x128xi32, #tpu.memory_space<vmem>> -> memref<1x128xi32, #tpu.memory_space<vmem>>
    %dma_start3A_65 = tpu.memref_squeeze %dma_start3A_64 : memref<1x128xi32, #tpu.memory_space<vmem>> -> memref<128xi32, #tpu.memory_space<vmem>>
    %dma_start3A_66 = arith.constant 0 : i32
    %dma_start3A_67 = arith.constant 0 : i32
    %dma_start3A_68 = tpu.memref_slice %arg3[%dma_start3A_66, %dma_start3A_67] : memref<1000000x64xf32, #tpu.memory_space<hbm>> -> memref<1000000x64xf32, #tpu.memory_space<hbm>>
    tpu.enqueue_indirect_dma source(%dma_start3A_68 : memref<1000000x64xf32, #tpu.memory_space<hbm>>) target(%dma_start3A_62 : memref<128x64xf32, #tpu.memory_space<vmem>>) offsets(%dma_start3A_65 : memref<128xi32, #tpu.memory_space<vmem>>) semaphore(%arg8 : memref<!tpu.dma_semaphore, #tpu.memory_space<semaphore_mem>>)
    %scan3A_69 = arith.constant 0 : i32
    %scan3A_70 = arith.constant 1 : i32
    %scan3A_71 = arith.constant 0 : i32
    %scan3A_72 = arith.constant 0 : i32
    %scan3A_73 = arith.constant 24 : i32
    %scan3A_74 = arith.addi %scan3A_72, %scan3A_73 : i32
    %scan3A_75 = arith.constant 1 : i32
    scf.for %scan3A_261 = %scan3A_72 to %scan3A_74 step %scan3A_75  : i32 {
      %mul3A_262 = arith.constant 2 : i32
      %mul3A_263 = arith.muli %mul3A_262, %scan3A_261 : i32
      %add3A_264 = arith.constant 1 : i32
      %add3A_265 = arith.addi %mul3A_263, %add3A_264 : i32
      %mul3A_266 = arith.constant 4 : i32
      %mul3A_267 = arith.muli %add3A_265, %mul3A_266 : i32
      %add3A_268 = arith.constant 0 : i32
      %add3A_269 = arith.addi %mul3A_267, %add3A_268 : i32
      %dma_start3A_270 = arith.constant 0 : i32
      %dma_start3A_271 = arith.constant 0 : i32
      %dma_start3A_272 = tpu.memref_slice %arg7[%scan3A_70, %dma_start3A_270, %dma_start3A_271] : memref<2x512x64xf32, #tpu.memory_space<vmem>> -> memref<1x512x64xf32, #tpu.memory_space<vmem>>
      %dma_start3A_273 = tpu.memref_squeeze %dma_start3A_272 : memref<1x512x64xf32, #tpu.memory_space<vmem>> -> memref<512x64xf32, #tpu.memory_space<vmem>>
      %dma_start3A_274 = arith.constant 0 : i32
      %dma_start3A_275 = arith.constant 0 : i32
      %dma_start3A_276 = tpu.memref_slice %dma_start3A_273[%dma_start3A_274, %dma_start3A_275] : memref<512x64xf32, #tpu.memory_space<vmem>> -> memref<128x64xf32, #tpu.memory_space<vmem>>
      %dma_start3A_277 = arith.constant 0 : i32
      %dma_start3A_278 = tpu.memref_slice %arg6[%add3A_269, %dma_start3A_277] : memref<200x128xi32, #tpu.memory_space<vmem>> -> memref<1x128xi32, #tpu.memory_space<vmem>>
      %dma_start3A_279 = tpu.memref_squeeze %dma_start3A_278 : memref<1x128xi32, #tpu.memory_space<vmem>> -> memref<128xi32, #tpu.memory_space<vmem>>
      %dma_start3A_280 = arith.constant 0 : i32
      %dma_start3A_281 = arith.constant 0 : i32
      %dma_start3A_282 = tpu.memref_slice %arg3[%dma_start3A_280, %dma_start3A_281] : memref<1000000x64xf32, #tpu.memory_space<hbm>> -> memref<1000000x64xf32, #tpu.memory_space<hbm>>
      tpu.enqueue_indirect_dma source(%dma_start3A_282 : memref<1000000x64xf32, #tpu.memory_space<hbm>>) target(%dma_start3A_276 : memref<128x64xf32, #tpu.memory_space<vmem>>) offsets(%dma_start3A_279 : memref<128xi32, #tpu.memory_space<vmem>>) semaphore(%arg9 : memref<!tpu.dma_semaphore, #tpu.memory_space<semaphore_mem>>)
      %mul3A_283 = arith.constant 4 : i32
      %mul3A_284 = arith.muli %add3A_265, %mul3A_283 : i32
      %add3A_285 = arith.constant 1 : i32
      %add3A_286 = arith.addi %mul3A_284, %add3A_285 : i32
      %dma_start3A_287 = arith.constant 0 : i32
      %dma_start3A_288 = arith.constant 0 : i32
      %dma_start3A_289 = tpu.memref_slice %arg7[%scan3A_70, %dma_start3A_287, %dma_start3A_288] : memref<2x512x64xf32, #tpu.memory_space<vmem>> -> memref<1x512x64xf32, #tpu.memory_space<vmem>>
      %dma_start3A_290 = tpu.memref_squeeze %dma_start3A_289 : memref<1x512x64xf32, #tpu.memory_space<vmem>> -> memref<512x64xf32, #tpu.memory_space<vmem>>
      %dma_start3A_291 = arith.constant 128 : i32
      %dma_start3A_292 = arith.constant 0 : i32
      %dma_start3A_293 = tpu.memref_slice %dma_start3A_290[%dma_start3A_291, %dma_start3A_292] : memref<512x64xf32, #tpu.memory_space<vmem>> -> memref<128x64xf32, #tpu.memory_space<vmem>>
      %dma_start3A_294 = arith.constant 0 : i32
      %dma_start3A_295 = tpu.memref_slice %arg6[%add3A_286, %dma_start3A_294] : memref<200x128xi32, #tpu.memory_space<vmem>> -> memref<1x128xi32, #tpu.memory_space<vmem>>
      %dma_start3A_296 = tpu.memref_squeeze %dma_start3A_295 : memref<1x128xi32, #tpu.memory_space<vmem>> -> memref<128xi32, #tpu.memory_space<vmem>>
      %dma_start3A_297 = arith.constant 0 : i32
      %dma_start3A_298 = arith.constant 0 : i32
      %dma_start3A_299 = tpu.memref_slice %arg3[%dma_start3A_297, %dma_start3A_298] : memref<1000000x64xf32, #tpu.memory_space<hbm>> -> memref<1000000x64xf32, #tpu.memory_space<hbm>>
      tpu.enqueue_indirect_dma source(%dma_start3A_299 : memref<1000000x64xf32, #tpu.memory_space<hbm>>) target(%dma_start3A_293 : memref<128x64xf32, #tpu.memory_space<vmem>>) offsets(%dma_start3A_296 : memref<128xi32, #tpu.memory_space<vmem>>) semaphore(%arg9 : memref<!tpu.dma_semaphore, #tpu.memory_space<semaphore_mem>>)
      %mul3A_300 = arith.constant 4 : i32
      %mul3A_301 = arith.muli %add3A_265, %mul3A_300 : i32
      %add3A_302 = arith.constant 2 : i32
      %add3A_303 = arith.addi %mul3A_301, %add3A_302 : i32
      %dma_start3A_304 = arith.constant 0 : i32
      %dma_start3A_305 = arith.constant 0 : i32
      %dma_start3A_306 = tpu.memref_slice %arg7[%scan3A_70, %dma_start3A_304, %dma_start3A_305] : memref<2x512x64xf32, #tpu.memory_space<vmem>> -> memref<1x512x64xf32, #tpu.memory_space<vmem>>
      %dma_start3A_307 = tpu.memref_squeeze %dma_start3A_306 : memref<1x512x64xf32, #tpu.memory_space<vmem>> -> memref<512x64xf32, #tpu.memory_space<vmem>>
      %dma_start3A_308 = arith.constant 256 : i32
      %dma_start3A_309 = arith.constant 0 : i32
      %dma_start3A_310 = tpu.memref_slice %dma_start3A_307[%dma_start3A_308, %dma_start3A_309] : memref<512x64xf32, #tpu.memory_space<vmem>> -> memref<128x64xf32, #tpu.memory_space<vmem>>
      %dma_start3A_311 = arith.constant 0 : i32
      %dma_start3A_312 = tpu.memref_slice %arg6[%add3A_303, %dma_start3A_311] : memref<200x128xi32, #tpu.memory_space<vmem>> -> memref<1x128xi32, #tpu.memory_space<vmem>>
      %dma_start3A_313 = tpu.memref_squeeze %dma_start3A_312 : memref<1x128xi32, #tpu.memory_space<vmem>> -> memref<128xi32, #tpu.memory_space<vmem>>
      %dma_start3A_314 = arith.constant 0 : i32
      %dma_start3A_315 = arith.constant 0 : i32
      %dma_start3A_316 = tpu.memref_slice %arg3[%dma_start3A_314, %dma_start3A_315] : memref<1000000x64xf32, #tpu.memory_space<hbm>> -> memref<1000000x64xf32, #tpu.memory_space<hbm>>
      tpu.enqueue_indirect_dma source(%dma_start3A_316 : memref<1000000x64xf32, #tpu.memory_space<hbm>>) target(%dma_start3A_310 : memref<128x64xf32, #tpu.memory_space<vmem>>) offsets(%dma_start3A_313 : memref<128xi32, #tpu.memory_space<vmem>>) semaphore(%arg9 : memref<!tpu.dma_semaphore, #tpu.memory_space<semaphore_mem>>)
      %mul3A_317 = arith.constant 4 : i32
      %mul3A_318 = arith.muli %add3A_265, %mul3A_317 : i32
      %add3A_319 = arith.constant 3 : i32
      %add3A_320 = arith.addi %mul3A_318, %add3A_319 : i32
      %dma_start3A_321 = arith.constant 0 : i32
      %dma_start3A_322 = arith.constant 0 : i32
      %dma_start3A_323 = tpu.memref_slice %arg7[%scan3A_70, %dma_start3A_321, %dma_start3A_322] : memref<2x512x64xf32, #tpu.memory_space<vmem>> -> memref<1x512x64xf32, #tpu.memory_space<vmem>>
      %dma_start3A_324 = tpu.memref_squeeze %dma_start3A_323 : memref<1x512x64xf32, #tpu.memory_space<vmem>> -> memref<512x64xf32, #tpu.memory_space<vmem>>
      %dma_start3A_325 = arith.constant 384 : i32
      %dma_start3A_326 = arith.constant 0 : i32
      %dma_start3A_327 = tpu.memref_slice %dma_start3A_324[%dma_start3A_325, %dma_start3A_326] : memref<512x64xf32, #tpu.memory_space<vmem>> -> memref<128x64xf32, #tpu.memory_space<vmem>>
      %dma_start3A_328 = arith.constant 0 : i32
      %dma_start3A_329 = tpu.memref_slice %arg6[%add3A_320, %dma_start3A_328] : memref<200x128xi32, #tpu.memory_space<vmem>> -> memref<1x128xi32, #tpu.memory_space<vmem>>
      %dma_start3A_330 = tpu.memref_squeeze %dma_start3A_329 : memref<1x128xi32, #tpu.memory_space<vmem>> -> memref<128xi32, #tpu.memory_space<vmem>>
      %dma_start3A_331 = arith.constant 0 : i32
      %dma_start3A_332 = arith.constant 0 : i32
      %dma_start3A_333 = tpu.memref_slice %arg3[%dma_start3A_331, %dma_start3A_332] : memref<1000000x64xf32, #tpu.memory_space<hbm>> -> memref<1000000x64xf32, #tpu.memory_space<hbm>>
      tpu.enqueue_indirect_dma source(%dma_start3A_333 : memref<1000000x64xf32, #tpu.memory_space<hbm>>) target(%dma_start3A_327 : memref<128x64xf32, #tpu.memory_space<vmem>>) offsets(%dma_start3A_330 : memref<128xi32, #tpu.memory_space<vmem>>) semaphore(%arg9 : memref<!tpu.dma_semaphore, #tpu.memory_space<semaphore_mem>>)
      %mul3A_334 = arith.constant 4 : i32
      %mul3A_335 = arith.muli %mul3A_263, %mul3A_334 : i32
      %add3A_336 = arith.constant 0 : i32
      %add3A_337 = arith.addi %mul3A_335, %add3A_336 : i32
      %dma_wait3A_338 = arith.constant 0 : i32
      %dma_wait3A_339 = arith.constant 0 : i32
      %dma_wait3A_340 = tpu.memref_slice %arg7[%scan3A_71, %dma_wait3A_338, %dma_wait3A_339] : memref<2x512x64xf32, #tpu.memory_space<vmem>> -> memref<1x512x64xf32, #tpu.memory_space<vmem>>
      %dma_wait3A_341 = tpu.memref_squeeze %dma_wait3A_340 : memref<1x512x64xf32, #tpu.memory_space<vmem>> -> memref<512x64xf32, #tpu.memory_space<vmem>>
      %dma_wait3A_342 = arith.constant 0 : i32
      %dma_wait3A_343 = arith.constant 0 : i32
      %dma_wait3A_344 = tpu.memref_slice %dma_wait3A_341[%dma_wait3A_342, %dma_wait3A_343] : memref<512x64xf32, #tpu.memory_space<vmem>> -> memref<128x64xf32, #tpu.memory_space<vmem>>
      %dma_wait3A_345 = arith.constant 0 : i32
      %dma_wait3A_346 = tpu.memref_slice %arg6[%add3A_337, %dma_wait3A_345] : memref<200x128xi32, #tpu.memory_space<vmem>> -> memref<1x128xi32, #tpu.memory_space<vmem>>
      %dma_wait3A_347 = tpu.memref_squeeze %dma_wait3A_346 : memref<1x128xi32, #tpu.memory_space<vmem>> -> memref<128xi32, #tpu.memory_space<vmem>>
      %dma_wait3A_348 = arith.constant 0 : i32
      %dma_wait3A_349 = arith.constant 0 : i32
      %dma_wait3A_350 = tpu.memref_slice %arg3[%dma_wait3A_348, %dma_wait3A_349] : memref<1000000x64xf32, #tpu.memory_space<hbm>> -> memref<1000000x64xf32, #tpu.memory_space<hbm>>
      tpu.wait_indirect_dma semaphore(%arg8 : memref<!tpu.dma_semaphore, #tpu.memory_space<semaphore_mem>>) src(%dma_wait3A_350 : memref<1000000x64xf32, #tpu.memory_space<hbm>>) dst(%dma_wait3A_344 : memref<128x64xf32, #tpu.memory_space<vmem>>)
      %mul3A_351 = arith.constant 4 : i32
      %mul3A_352 = arith.muli %mul3A_263, %mul3A_351 : i32
      %add3A_353 = arith.constant 1 : i32
      %add3A_354 = arith.addi %mul3A_352, %add3A_353 : i32
      %dma_wait3A_355 = arith.constant 0 : i32
      %dma_wait3A_356 = arith.constant 0 : i32
      %dma_wait3A_357 = tpu.memref_slice %arg7[%scan3A_71, %dma_wait3A_355, %dma_wait3A_356] : memref<2x512x64xf32, #tpu.memory_space<vmem>> -> memref<1x512x64xf32, #tpu.memory_space<vmem>>
      %dma_wait3A_358 = tpu.memref_squeeze %dma_wait3A_357 : memref<1x512x64xf32, #tpu.memory_space<vmem>> -> memref<512x64xf32, #tpu.memory_space<vmem>>
      %dma_wait3A_359 = arith.constant 128 : i32
      %dma_wait3A_360 = arith.constant 0 : i32
      %dma_wait3A_361 = tpu.memref_slice %dma_wait3A_358[%dma_wait3A_359, %dma_wait3A_360] : memref<512x64xf32, #tpu.memory_space<vmem>> -> memref<128x64xf32, #tpu.memory_space<vmem>>
      %dma_wait3A_362 = arith.constant 0 : i32
      %dma_wait3A_363 = tpu.memref_slice %arg6[%add3A_354, %dma_wait3A_362] : memref<200x128xi32, #tpu.memory_space<vmem>> -> memref<1x128xi32, #tpu.memory_space<vmem>>
      %dma_wait3A_364 = tpu.memref_squeeze %dma_wait3A_363 : memref<1x128xi32, #tpu.memory_space<vmem>> -> memref<128xi32, #tpu.memory_space<vmem>>
      %dma_wait3A_365 = arith.constant 0 : i32
      %dma_wait3A_366 = arith.constant 0 : i32
      %dma_wait3A_367 = tpu.memref_slice %arg3[%dma_wait3A_365, %dma_wait3A_366] : memref<1000000x64xf32, #tpu.memory_space<hbm>> -> memref<1000000x64xf32, #tpu.memory_space<hbm>>
      tpu.wait_indirect_dma semaphore(%arg8 : memref<!tpu.dma_semaphore, #tpu.memory_space<semaphore_mem>>) src(%dma_wait3A_367 : memref<1000000x64xf32, #tpu.memory_space<hbm>>) dst(%dma_wait3A_361 : memref<128x64xf32, #tpu.memory_space<vmem>>)
      %mul3A_368 = arith.constant 4 : i32
      %mul3A_369 = arith.muli %mul3A_263, %mul3A_368 : i32
      %add3A_370 = arith.constant 2 : i32
      %add3A_371 = arith.addi %mul3A_369, %add3A_370 : i32
      %dma_wait3A_372 = arith.constant 0 : i32
      %dma_wait3A_373 = arith.constant 0 : i32
      %dma_wait3A_374 = tpu.memref_slice %arg7[%scan3A_71, %dma_wait3A_372, %dma_wait3A_373] : memref<2x512x64xf32, #tpu.memory_space<vmem>> -> memref<1x512x64xf32, #tpu.memory_space<vmem>>
      %dma_wait3A_375 = tpu.memref_squeeze %dma_wait3A_374 : memref<1x512x64xf32, #tpu.memory_space<vmem>> -> memref<512x64xf32, #tpu.memory_space<vmem>>
      %dma_wait3A_376 = arith.constant 256 : i32
      %dma_wait3A_377 = arith.constant 0 : i32
      %dma_wait3A_378 = tpu.memref_slice %dma_wait3A_375[%dma_wait3A_376, %dma_wait3A_377] : memref<512x64xf32, #tpu.memory_space<vmem>> -> memref<128x64xf32, #tpu.memory_space<vmem>>
      %dma_wait3A_379 = arith.constant 0 : i32
      %dma_wait3A_380 = tpu.memref_slice %arg6[%add3A_371, %dma_wait3A_379] : memref<200x128xi32, #tpu.memory_space<vmem>> -> memref<1x128xi32, #tpu.memory_space<vmem>>
      %dma_wait3A_381 = tpu.memref_squeeze %dma_wait3A_380 : memref<1x128xi32, #tpu.memory_space<vmem>> -> memref<128xi32, #tpu.memory_space<vmem>>
      %dma_wait3A_382 = arith.constant 0 : i32
      %dma_wait3A_383 = arith.constant 0 : i32
      %dma_wait3A_384 = tpu.memref_slice %arg3[%dma_wait3A_382, %dma_wait3A_383] : memref<1000000x64xf32, #tpu.memory_space<hbm>> -> memref<1000000x64xf32, #tpu.memory_space<hbm>>
      tpu.wait_indirect_dma semaphore(%arg8 : memref<!tpu.dma_semaphore, #tpu.memory_space<semaphore_mem>>) src(%dma_wait3A_384 : memref<1000000x64xf32, #tpu.memory_space<hbm>>) dst(%dma_wait3A_378 : memref<128x64xf32, #tpu.memory_space<vmem>>)
      %mul3A_385 = arith.constant 4 : i32
      %mul3A_386 = arith.muli %mul3A_263, %mul3A_385 : i32
      %add3A_387 = arith.constant 3 : i32
      %add3A_388 = arith.addi %mul3A_386, %add3A_387 : i32
      %dma_wait3A_389 = arith.constant 0 : i32
      %dma_wait3A_390 = arith.constant 0 : i32
      %dma_wait3A_391 = tpu.memref_slice %arg7[%scan3A_71, %dma_wait3A_389, %dma_wait3A_390] : memref<2x512x64xf32, #tpu.memory_space<vmem>> -> memref<1x512x64xf32, #tpu.memory_space<vmem>>
      %dma_wait3A_392 = tpu.memref_squeeze %dma_wait3A_391 : memref<1x512x64xf32, #tpu.memory_space<vmem>> -> memref<512x64xf32, #tpu.memory_space<vmem>>
      %dma_wait3A_393 = arith.constant 384 : i32
      %dma_wait3A_394 = arith.constant 0 : i32
      %dma_wait3A_395 = tpu.memref_slice %dma_wait3A_392[%dma_wait3A_393, %dma_wait3A_394] : memref<512x64xf32, #tpu.memory_space<vmem>> -> memref<128x64xf32, #tpu.memory_space<vmem>>
      %dma_wait3A_396 = arith.constant 0 : i32
      %dma_wait3A_397 = tpu.memref_slice %arg6[%add3A_388, %dma_wait3A_396] : memref<200x128xi32, #tpu.memory_space<vmem>> -> memref<1x128xi32, #tpu.memory_space<vmem>>
      %dma_wait3A_398 = tpu.memref_squeeze %dma_wait3A_397 : memref<1x128xi32, #tpu.memory_space<vmem>> -> memref<128xi32, #tpu.memory_space<vmem>>
      %dma_wait3A_399 = arith.constant 0 : i32
      %dma_wait3A_400 = arith.constant 0 : i32
      %dma_wait3A_401 = tpu.memref_slice %arg3[%dma_wait3A_399, %dma_wait3A_400] : memref<1000000x64xf32, #tpu.memory_space<hbm>> -> memref<1000000x64xf32, #tpu.memory_space<hbm>>
      tpu.wait_indirect_dma semaphore(%arg8 : memref<!tpu.dma_semaphore, #tpu.memory_space<semaphore_mem>>) src(%dma_wait3A_401 : memref<1000000x64xf32, #tpu.memory_space<hbm>>) dst(%dma_wait3A_395 : memref<128x64xf32, #tpu.memory_space<vmem>>)
      %mul3A_402 = arith.constant 512 : i32
      %mul3A_403 = arith.muli %mul3A_263, %mul3A_402 : i32
      %add3A_404 = arith.addi %mul3A_4, %mul3A_403 : i32
      "tpu.region"() ({
        %run_scoped3A_548 = tpu.sem_alloc : memref<!tpu.dma_semaphore, #tpu.memory_space<semaphore_mem>>
        %dma_start3A_549 = arith.constant 0 : i32
        %dma_start3A_550 = arith.constant 0 : i32
        %dma_start3A_551 = tpu.memref_slice %arg7[%scan3A_71, %dma_start3A_549, %dma_start3A_550] : memref<2x512x64xf32, #tpu.memory_space<vmem>> -> memref<1x512x64xf32, #tpu.memory_space<vmem>>
        %dma_start3A_552 = tpu.memref_squeeze %dma_start3A_551 : memref<1x512x64xf32, #tpu.memory_space<vmem>> -> memref<512x64xf32, #tpu.memory_space<vmem>>
        %dma_start3A_553 = arith.constant 0 : i32
        %dma_start3A_554 = tpu.memref_slice %arg4[%add3A_404, %dma_start3A_553] : memref<819200x64xf32, #tpu.memory_space<hbm>> -> memref<512x64xf32, #tpu.memory_space<hbm>>
        %dma_start3A_555 = arith.constant 0 : i32
        %dma_start3A_556 = tpu.memref_slice %arg4[%add3A_404, %dma_start3A_555] : memref<819200x64xf32, #tpu.memory_space<hbm>> -> memref<512x64xf32, #tpu.memory_space<hbm>>
        %dma_start3A_557 = arith.constant 0 : i32
        %dma_start3A_558 = arith.constant 0 : i32
        %dma_start3A_559 = tpu.memref_slice %arg7[%scan3A_71, %dma_start3A_557, %dma_start3A_558] : memref<2x512x64xf32, #tpu.memory_space<vmem>> -> memref<1x512x64xf32, #tpu.memory_space<vmem>>
        %dma_start3A_560 = tpu.memref_squeeze %dma_start3A_559 : memref<1x512x64xf32, #tpu.memory_space<vmem>> -> memref<512x64xf32, #tpu.memory_space<vmem>>
        tpu.enqueue_dma source(%dma_start3A_560 : memref<512x64xf32, #tpu.memory_space<vmem>>) target(%dma_start3A_556 : memref<512x64xf32, #tpu.memory_space<hbm>>) target_semaphore(%run_scoped3A_548 : memref<!tpu.dma_semaphore, #tpu.memory_space<semaphore_mem>>)
        %dma_wait3A_561 = arith.constant 0 : i32
        %dma_wait3A_562 = arith.constant 0 : i32
        %dma_wait3A_563 = tpu.memref_slice %arg7[%scan3A_71, %dma_wait3A_561, %dma_wait3A_562] : memref<2x512x64xf32, #tpu.memory_space<vmem>> -> memref<1x512x64xf32, #tpu.memory_space<vmem>>
        %dma_wait3A_564 = tpu.memref_squeeze %dma_wait3A_563 : memref<1x512x64xf32, #tpu.memory_space<vmem>> -> memref<512x64xf32, #tpu.memory_space<vmem>>
        %dma_wait3A_565 = arith.constant 0 : i32
        %dma_wait3A_566 = tpu.memref_slice %arg4[%add3A_404, %dma_wait3A_565] : memref<819200x64xf32, #tpu.memory_space<hbm>> -> memref<512x64xf32, #tpu.memory_space<hbm>>
        %dma_wait3A_567 = arith.constant 0 : i32
        %dma_wait3A_568 = tpu.memref_slice %arg4[%add3A_404, %dma_wait3A_567] : memref<819200x64xf32, #tpu.memory_space<hbm>> -> memref<512x64xf32, #tpu.memory_space<hbm>>
        %dma_wait3A_569 = arith.constant 0 : i32
        %dma_wait3A_570 = arith.constant 0 : i32
        %dma_wait3A_571 = tpu.memref_slice %arg7[%scan3A_71, %dma_wait3A_569, %dma_wait3A_570] : memref<2x512x64xf32, #tpu.memory_space<vmem>> -> memref<1x512x64xf32, #tpu.memory_space<vmem>>
        %dma_wait3A_572 = tpu.memref_squeeze %dma_wait3A_571 : memref<1x512x64xf32, #tpu.memory_space<vmem>> -> memref<512x64xf32, #tpu.memory_space<vmem>>
        tpu.wait_dma2 semaphore(%run_scoped3A_548 : memref<!tpu.dma_semaphore, #tpu.memory_space<semaphore_mem>>) src(%dma_wait3A_572 : memref<512x64xf32, #tpu.memory_space<vmem>>) dst(%dma_wait3A_568 : memref<512x64xf32, #tpu.memory_space<hbm>>)
        tpu.yield
      }) : () -> ()
      %add3A_405 = arith.constant 2 : i32
      %add3A_406 = arith.addi %mul3A_263, %add3A_405 : i32
      %mul3A_407 = arith.constant 4 : i32
      %mul3A_408 = arith.muli %add3A_406, %mul3A_407 : i32
      %add3A_409 = arith.constant 0 : i32
      %add3A_410 = arith.addi %mul3A_408, %add3A_409 : i32
      %dma_start3A_411 = arith.constant 0 : i32
      %dma_start3A_412 = arith.constant 0 : i32
      %dma_start3A_413 = tpu.memref_slice %arg7[%scan3A_71, %dma_start3A_411, %dma_start3A_412] : memref<2x512x64xf32, #tpu.memory_space<vmem>> -> memref<1x512x64xf32, #tpu.memory_space<vmem>>
      %dma_start3A_414 = tpu.memref_squeeze %dma_start3A_413 : memref<1x512x64xf32, #tpu.memory_space<vmem>> -> memref<512x64xf32, #tpu.memory_space<vmem>>
      %dma_start3A_415 = arith.constant 0 : i32
      %dma_start3A_416 = arith.constant 0 : i32
      %dma_start3A_417 = tpu.memref_slice %dma_start3A_414[%dma_start3A_415, %dma_start3A_416] : memref<512x64xf32, #tpu.memory_space<vmem>> -> memref<128x64xf32, #tpu.memory_space<vmem>>
      %dma_start3A_418 = arith.constant 0 : i32
      %dma_start3A_419 = tpu.memref_slice %arg6[%add3A_410, %dma_start3A_418] : memref<200x128xi32, #tpu.memory_space<vmem>> -> memref<1x128xi32, #tpu.memory_space<vmem>>
      %dma_start3A_420 = tpu.memref_squeeze %dma_start3A_419 : memref<1x128xi32, #tpu.memory_space<vmem>> -> memref<128xi32, #tpu.memory_space<vmem>>
      %dma_start3A_421 = arith.constant 0 : i32
      %dma_start3A_422 = arith.constant 0 : i32
      %dma_start3A_423 = tpu.memref_slice %arg3[%dma_start3A_421, %dma_start3A_422] : memref<1000000x64xf32, #tpu.memory_space<hbm>> -> memref<1000000x64xf32, #tpu.memory_space<hbm>>
      tpu.enqueue_indirect_dma source(%dma_start3A_423 : memref<1000000x64xf32, #tpu.memory_space<hbm>>) target(%dma_start3A_417 : memref<128x64xf32, #tpu.memory_space<vmem>>) offsets(%dma_start3A_420 : memref<128xi32, #tpu.memory_space<vmem>>) semaphore(%arg8 : memref<!tpu.dma_semaphore, #tpu.memory_space<semaphore_mem>>)
      %mul3A_424 = arith.constant 4 : i32
      %mul3A_425 = arith.muli %add3A_406, %mul3A_424 : i32
      %add3A_426 = arith.constant 1 : i32
      %add3A_427 = arith.addi %mul3A_425, %add3A_426 : i32
      %dma_start3A_428 = arith.constant 0 : i32
      %dma_start3A_429 = arith.constant 0 : i32
      %dma_start3A_430 = tpu.memref_slice %arg7[%scan3A_71, %dma_start3A_428, %dma_start3A_429] : memref<2x512x64xf32, #tpu.memory_space<vmem>> -> memref<1x512x64xf32, #tpu.memory_space<vmem>>
      %dma_start3A_431 = tpu.memref_squeeze %dma_start3A_430 : memref<1x512x64xf32, #tpu.memory_space<vmem>> -> memref<512x64xf32, #tpu.memory_space<vmem>>
      %dma_start3A_432 = arith.constant 128 : i32
      %dma_start3A_433 = arith.constant 0 : i32
      %dma_start3A_434 = tpu.memref_slice %dma_start3A_431[%dma_start3A_432, %dma_start3A_433] : memref<512x64xf32, #tpu.memory_space<vmem>> -> memref<128x64xf32, #tpu.memory_space<vmem>>
      %dma_start3A_435 = arith.constant 0 : i32
      %dma_start3A_436 = tpu.memref_slice %arg6[%add3A_427, %dma_start3A_435] : memref<200x128xi32, #tpu.memory_space<vmem>> -> memref<1x128xi32, #tpu.memory_space<vmem>>
      %dma_start3A_437 = tpu.memref_squeeze %dma_start3A_436 : memref<1x128xi32, #tpu.memory_space<vmem>> -> memref<128xi32, #tpu.memory_space<vmem>>
      %dma_start3A_438 = arith.constant 0 : i32
      %dma_start3A_439 = arith.constant 0 : i32
      %dma_start3A_440 = tpu.memref_slice %arg3[%dma_start3A_438, %dma_start3A_439] : memref<1000000x64xf32, #tpu.memory_space<hbm>> -> memref<1000000x64xf32, #tpu.memory_space<hbm>>
      tpu.enqueue_indirect_dma source(%dma_start3A_440 : memref<1000000x64xf32, #tpu.memory_space<hbm>>) target(%dma_start3A_434 : memref<128x64xf32, #tpu.memory_space<vmem>>) offsets(%dma_start3A_437 : memref<128xi32, #tpu.memory_space<vmem>>) semaphore(%arg8 : memref<!tpu.dma_semaphore, #tpu.memory_space<semaphore_mem>>)
      %mul3A_441 = arith.constant 4 : i32
      %mul3A_442 = arith.muli %add3A_406, %mul3A_441 : i32
      %add3A_443 = arith.constant 2 : i32
      %add3A_444 = arith.addi %mul3A_442, %add3A_443 : i32
      %dma_start3A_445 = arith.constant 0 : i32
      %dma_start3A_446 = arith.constant 0 : i32
      %dma_start3A_447 = tpu.memref_slice %arg7[%scan3A_71, %dma_start3A_445, %dma_start3A_446] : memref<2x512x64xf32, #tpu.memory_space<vmem>> -> memref<1x512x64xf32, #tpu.memory_space<vmem>>
      %dma_start3A_448 = tpu.memref_squeeze %dma_start3A_447 : memref<1x512x64xf32, #tpu.memory_space<vmem>> -> memref<512x64xf32, #tpu.memory_space<vmem>>
      %dma_start3A_449 = arith.constant 256 : i32
      %dma_start3A_450 = arith.constant 0 : i32
      %dma_start3A_451 = tpu.memref_slice %dma_start3A_448[%dma_start3A_449, %dma_start3A_450] : memref<512x64xf32, #tpu.memory_space<vmem>> -> memref<128x64xf32, #tpu.memory_space<vmem>>
      %dma_start3A_452 = arith.constant 0 : i32
      %dma_start3A_453 = tpu.memref_slice %arg6[%add3A_444, %dma_start3A_452] : memref<200x128xi32, #tpu.memory_space<vmem>> -> memref<1x128xi32, #tpu.memory_space<vmem>>
      %dma_start3A_454 = tpu.memref_squeeze %dma_start3A_453 : memref<1x128xi32, #tpu.memory_space<vmem>> -> memref<128xi32, #tpu.memory_space<vmem>>
      %dma_start3A_455 = arith.constant 0 : i32
      %dma_start3A_456 = arith.constant 0 : i32
      %dma_start3A_457 = tpu.memref_slice %arg3[%dma_start3A_455, %dma_start3A_456] : memref<1000000x64xf32, #tpu.memory_space<hbm>> -> memref<1000000x64xf32, #tpu.memory_space<hbm>>
      tpu.enqueue_indirect_dma source(%dma_start3A_457 : memref<1000000x64xf32, #tpu.memory_space<hbm>>) target(%dma_start3A_451 : memref<128x64xf32, #tpu.memory_space<vmem>>) offsets(%dma_start3A_454 : memref<128xi32, #tpu.memory_space<vmem>>) semaphore(%arg8 : memref<!tpu.dma_semaphore, #tpu.memory_space<semaphore_mem>>)
      %mul3A_458 = arith.constant 4 : i32
      %mul3A_459 = arith.muli %add3A_406, %mul3A_458 : i32
      %add3A_460 = arith.constant 3 : i32
      %add3A_461 = arith.addi %mul3A_459, %add3A_460 : i32
      %dma_start3A_462 = arith.constant 0 : i32
      %dma_start3A_463 = arith.constant 0 : i32
      %dma_start3A_464 = tpu.memref_slice %arg7[%scan3A_71, %dma_start3A_462, %dma_start3A_463] : memref<2x512x64xf32, #tpu.memory_space<vmem>> -> memref<1x512x64xf32, #tpu.memory_space<vmem>>
      %dma_start3A_465 = tpu.memref_squeeze %dma_start3A_464 : memref<1x512x64xf32, #tpu.memory_space<vmem>> -> memref<512x64xf32, #tpu.memory_space<vmem>>
      %dma_start3A_466 = arith.constant 384 : i32
      %dma_start3A_467 = arith.constant 0 : i32
      %dma_start3A_468 = tpu.memref_slice %dma_start3A_465[%dma_start3A_466, %dma_start3A_467] : memref<512x64xf32, #tpu.memory_space<vmem>> -> memref<128x64xf32, #tpu.memory_space<vmem>>
      %dma_start3A_469 = arith.constant 0 : i32
      %dma_start3A_470 = tpu.memref_slice %arg6[%add3A_461, %dma_start3A_469] : memref<200x128xi32, #tpu.memory_space<vmem>> -> memref<1x128xi32, #tpu.memory_space<vmem>>
      %dma_start3A_471 = tpu.memref_squeeze %dma_start3A_470 : memref<1x128xi32, #tpu.memory_space<vmem>> -> memref<128xi32, #tpu.memory_space<vmem>>
      %dma_start3A_472 = arith.constant 0 : i32
      %dma_start3A_473 = arith.constant 0 : i32
      %dma_start3A_474 = tpu.memref_slice %arg3[%dma_start3A_472, %dma_start3A_473] : memref<1000000x64xf32, #tpu.memory_space<hbm>> -> memref<1000000x64xf32, #tpu.memory_space<hbm>>
      tpu.enqueue_indirect_dma source(%dma_start3A_474 : memref<1000000x64xf32, #tpu.memory_space<hbm>>) target(%dma_start3A_468 : memref<128x64xf32, #tpu.memory_space<vmem>>) offsets(%dma_start3A_471 : memref<128xi32, #tpu.memory_space<vmem>>) semaphore(%arg8 : memref<!tpu.dma_semaphore, #tpu.memory_space<semaphore_mem>>)
      %add3A_475 = arith.constant 1 : i32
      %add3A_476 = arith.addi %mul3A_263, %add3A_475 : i32
      %mul3A_477 = arith.constant 4 : i32
      %mul3A_478 = arith.muli %add3A_476, %mul3A_477 : i32
      %add3A_479 = arith.constant 0 : i32
      %add3A_480 = arith.addi %mul3A_478, %add3A_479 : i32
      %dma_wait3A_481 = arith.constant 0 : i32
      %dma_wait3A_482 = arith.constant 0 : i32
      %dma_wait3A_483 = tpu.memref_slice %arg7[%scan3A_70, %dma_wait3A_481, %dma_wait3A_482] : memref<2x512x64xf32, #tpu.memory_space<vmem>> -> memref<1x512x64xf32, #tpu.memory_space<vmem>>
      %dma_wait3A_484 = tpu.memref_squeeze %dma_wait3A_483 : memref<1x512x64xf32, #tpu.memory_space<vmem>> -> memref<512x64xf32, #tpu.memory_space<vmem>>
      %dma_wait3A_485 = arith.constant 0 : i32
      %dma_wait3A_486 = arith.constant 0 : i32
      %dma_wait3A_487 = tpu.memref_slice %dma_wait3A_484[%dma_wait3A_485, %dma_wait3A_486] : memref<512x64xf32, #tpu.memory_space<vmem>> -> memref<128x64xf32, #tpu.memory_space<vmem>>
      %dma_wait3A_488 = arith.constant 0 : i32
      %dma_wait3A_489 = tpu.memref_slice %arg6[%add3A_480, %dma_wait3A_488] : memref<200x128xi32, #tpu.memory_space<vmem>> -> memref<1x128xi32, #tpu.memory_space<vmem>>
      %dma_wait3A_490 = tpu.memref_squeeze %dma_wait3A_489 : memref<1x128xi32, #tpu.memory_space<vmem>> -> memref<128xi32, #tpu.memory_space<vmem>>
      %dma_wait3A_491 = arith.constant 0 : i32
      %dma_wait3A_492 = arith.constant 0 : i32
      %dma_wait3A_493 = tpu.memref_slice %arg3[%dma_wait3A_491, %dma_wait3A_492] : memref<1000000x64xf32, #tpu.memory_space<hbm>> -> memref<1000000x64xf32, #tpu.memory_space<hbm>>
      tpu.wait_indirect_dma semaphore(%arg9 : memref<!tpu.dma_semaphore, #tpu.memory_space<semaphore_mem>>) src(%dma_wait3A_493 : memref<1000000x64xf32, #tpu.memory_space<hbm>>) dst(%dma_wait3A_487 : memref<128x64xf32, #tpu.memory_space<vmem>>)
      %mul3A_494 = arith.constant 4 : i32
      %mul3A_495 = arith.muli %add3A_476, %mul3A_494 : i32
      %add3A_496 = arith.constant 1 : i32
      %add3A_497 = arith.addi %mul3A_495, %add3A_496 : i32
      %dma_wait3A_498 = arith.constant 0 : i32
      %dma_wait3A_499 = arith.constant 0 : i32
      %dma_wait3A_500 = tpu.memref_slice %arg7[%scan3A_70, %dma_wait3A_498, %dma_wait3A_499] : memref<2x512x64xf32, #tpu.memory_space<vmem>> -> memref<1x512x64xf32, #tpu.memory_space<vmem>>
      %dma_wait3A_501 = tpu.memref_squeeze %dma_wait3A_500 : memref<1x512x64xf32, #tpu.memory_space<vmem>> -> memref<512x64xf32, #tpu.memory_space<vmem>>
      %dma_wait3A_502 = arith.constant 128 : i32
      %dma_wait3A_503 = arith.constant 0 : i32
      %dma_wait3A_504 = tpu.memref_slice %dma_wait3A_501[%dma_wait3A_502, %dma_wait3A_503] : memref<512x64xf32, #tpu.memory_space<vmem>> -> memref<128x64xf32, #tpu.memory_space<vmem>>
      %dma_wait3A_505 = arith.constant 0 : i32
      %dma_wait3A_506 = tpu.memref_slice %arg6[%add3A_497, %dma_wait3A_505] : memref<200x128xi32, #tpu.memory_space<vmem>> -> memref<1x128xi32, #tpu.memory_space<vmem>>
      %dma_wait3A_507 = tpu.memref_squeeze %dma_wait3A_506 : memref<1x128xi32, #tpu.memory_space<vmem>> -> memref<128xi32, #tpu.memory_space<vmem>>
      %dma_wait3A_508 = arith.constant 0 : i32
      %dma_wait3A_509 = arith.constant 0 : i32
      %dma_wait3A_510 = tpu.memref_slice %arg3[%dma_wait3A_508, %dma_wait3A_509] : memref<1000000x64xf32, #tpu.memory_space<hbm>> -> memref<1000000x64xf32, #tpu.memory_space<hbm>>
      tpu.wait_indirect_dma semaphore(%arg9 : memref<!tpu.dma_semaphore, #tpu.memory_space<semaphore_mem>>) src(%dma_wait3A_510 : memref<1000000x64xf32, #tpu.memory_space<hbm>>) dst(%dma_wait3A_504 : memref<128x64xf32, #tpu.memory_space<vmem>>)
      %mul3A_511 = arith.constant 4 : i32
      %mul3A_512 = arith.muli %add3A_476, %mul3A_511 : i32
      %add3A_513 = arith.constant 2 : i32
      %add3A_514 = arith.addi %mul3A_512, %add3A_513 : i32
      %dma_wait3A_515 = arith.constant 0 : i32
      %dma_wait3A_516 = arith.constant 0 : i32
      %dma_wait3A_517 = tpu.memref_slice %arg7[%scan3A_70, %dma_wait3A_515, %dma_wait3A_516] : memref<2x512x64xf32, #tpu.memory_space<vmem>> -> memref<1x512x64xf32, #tpu.memory_space<vmem>>
      %dma_wait3A_518 = tpu.memref_squeeze %dma_wait3A_517 : memref<1x512x64xf32, #tpu.memory_space<vmem>> -> memref<512x64xf32, #tpu.memory_space<vmem>>
      %dma_wait3A_519 = arith.constant 256 : i32
      %dma_wait3A_520 = arith.constant 0 : i32
      %dma_wait3A_521 = tpu.memref_slice %dma_wait3A_518[%dma_wait3A_519, %dma_wait3A_520] : memref<512x64xf32, #tpu.memory_space<vmem>> -> memref<128x64xf32, #tpu.memory_space<vmem>>
      %dma_wait3A_522 = arith.constant 0 : i32
      %dma_wait3A_523 = tpu.memref_slice %arg6[%add3A_514, %dma_wait3A_522] : memref<200x128xi32, #tpu.memory_space<vmem>> -> memref<1x128xi32, #tpu.memory_space<vmem>>
      %dma_wait3A_524 = tpu.memref_squeeze %dma_wait3A_523 : memref<1x128xi32, #tpu.memory_space<vmem>> -> memref<128xi32, #tpu.memory_space<vmem>>
      %dma_wait3A_525 = arith.constant 0 : i32
      %dma_wait3A_526 = arith.constant 0 : i32
      %dma_wait3A_527 = tpu.memref_slice %arg3[%dma_wait3A_525, %dma_wait3A_526] : memref<1000000x64xf32, #tpu.memory_space<hbm>> -> memref<1000000x64xf32, #tpu.memory_space<hbm>>
      tpu.wait_indirect_dma semaphore(%arg9 : memref<!tpu.dma_semaphore, #tpu.memory_space<semaphore_mem>>) src(%dma_wait3A_527 : memref<1000000x64xf32, #tpu.memory_space<hbm>>) dst(%dma_wait3A_521 : memref<128x64xf32, #tpu.memory_space<vmem>>)
      %mul3A_528 = arith.constant 4 : i32
      %mul3A_529 = arith.muli %add3A_476, %mul3A_528 : i32
      %add3A_530 = arith.constant 3 : i32
      %add3A_531 = arith.addi %mul3A_529, %add3A_530 : i32
      %dma_wait3A_532 = arith.constant 0 : i32
      %dma_wait3A_533 = arith.constant 0 : i32
      %dma_wait3A_534 = tpu.memref_slice %arg7[%scan3A_70, %dma_wait3A_532, %dma_wait3A_533] : memref<2x512x64xf32, #tpu.memory_space<vmem>> -> memref<1x512x64xf32, #tpu.memory_space<vmem>>
      %dma_wait3A_535 = tpu.memref_squeeze %dma_wait3A_534 : memref<1x512x64xf32, #tpu.memory_space<vmem>> -> memref<512x64xf32, #tpu.memory_space<vmem>>
      %dma_wait3A_536 = arith.constant 384 : i32
      %dma_wait3A_537 = arith.constant 0 : i32
      %dma_wait3A_538 = tpu.memref_slice %dma_wait3A_535[%dma_wait3A_536, %dma_wait3A_537] : memref<512x64xf32, #tpu.memory_space<vmem>> -> memref<128x64xf32, #tpu.memory_space<vmem>>
      %dma_wait3A_539 = arith.constant 0 : i32
      %dma_wait3A_540 = tpu.memref_slice %arg6[%add3A_531, %dma_wait3A_539] : memref<200x128xi32, #tpu.memory_space<vmem>> -> memref<1x128xi32, #tpu.memory_space<vmem>>
      %dma_wait3A_541 = tpu.memref_squeeze %dma_wait3A_540 : memref<1x128xi32, #tpu.memory_space<vmem>> -> memref<128xi32, #tpu.memory_space<vmem>>
      %dma_wait3A_542 = arith.constant 0 : i32
      %dma_wait3A_543 = arith.constant 0 : i32
      %dma_wait3A_544 = tpu.memref_slice %arg3[%dma_wait3A_542, %dma_wait3A_543] : memref<1000000x64xf32, #tpu.memory_space<hbm>> -> memref<1000000x64xf32, #tpu.memory_space<hbm>>
      tpu.wait_indirect_dma semaphore(%arg9 : memref<!tpu.dma_semaphore, #tpu.memory_space<semaphore_mem>>) src(%dma_wait3A_544 : memref<1000000x64xf32, #tpu.memory_space<hbm>>) dst(%dma_wait3A_538 : memref<128x64xf32, #tpu.memory_space<vmem>>)
      %mul3A_545 = arith.constant 512 : i32
      %mul3A_546 = arith.muli %add3A_476, %mul3A_545 : i32
      %add3A_547 = arith.addi %mul3A_4, %mul3A_546 : i32
      "tpu.region"() ({
        %run_scoped3A_548 = tpu.sem_alloc : memref<!tpu.dma_semaphore, #tpu.memory_space<semaphore_mem>>
        %dma_start3A_549 = arith.constant 0 : i32
        %dma_start3A_550 = arith.constant 0 : i32
        %dma_start3A_551 = tpu.memref_slice %arg7[%scan3A_70, %dma_start3A_549, %dma_start3A_550] : memref<2x512x64xf32, #tpu.memory_space<vmem>> -> memref<1x512x64xf32, #tpu.memory_space<vmem>>
        %dma_start3A_552 = tpu.memref_squeeze %dma_start3A_551 : memref<1x512x64xf32, #tpu.memory_space<vmem>> -> memref<512x64xf32, #tpu.memory_space<vmem>>
        %dma_start3A_553 = arith.constant 0 : i32
        %dma_start3A_554 = tpu.memref_slice %arg4[%add3A_547, %dma_start3A_553] : memref<819200x64xf32, #tpu.memory_space<hbm>> -> memref<512x64xf32, #tpu.memory_space<hbm>>
        %dma_start3A_555 = arith.constant 0 : i32
        %dma_start3A_556 = tpu.memref_slice %arg4[%add3A_547, %dma_start3A_555] : memref<819200x64xf32, #tpu.memory_space<hbm>> -> memref<512x64xf32, #tpu.memory_space<hbm>>
        %dma_start3A_557 = arith.constant 0 : i32
        %dma_start3A_558 = arith.constant 0 : i32
        %dma_start3A_559 = tpu.memref_slice %arg7[%scan3A_70, %dma_start3A_557, %dma_start3A_558] : memref<2x512x64xf32, #tpu.memory_space<vmem>> -> memref<1x512x64xf32, #tpu.memory_space<vmem>>
        %dma_start3A_560 = tpu.memref_squeeze %dma_start3A_559 : memref<1x512x64xf32, #tpu.memory_space<vmem>> -> memref<512x64xf32, #tpu.memory_space<vmem>>
        tpu.enqueue_dma source(%dma_start3A_560 : memref<512x64xf32, #tpu.memory_space<vmem>>) target(%dma_start3A_556 : memref<512x64xf32, #tpu.memory_space<hbm>>) target_semaphore(%run_scoped3A_548 : memref<!tpu.dma_semaphore, #tpu.memory_space<semaphore_mem>>)
        %dma_wait3A_561 = arith.constant 0 : i32
        %dma_wait3A_562 = arith.constant 0 : i32
        %dma_wait3A_563 = tpu.memref_slice %arg7[%scan3A_70, %dma_wait3A_561, %dma_wait3A_562] : memref<2x512x64xf32, #tpu.memory_space<vmem>> -> memref<1x512x64xf32, #tpu.memory_space<vmem>>
        %dma_wait3A_564 = tpu.memref_squeeze %dma_wait3A_563 : memref<1x512x64xf32, #tpu.memory_space<vmem>> -> memref<512x64xf32, #tpu.memory_space<vmem>>
        %dma_wait3A_565 = arith.constant 0 : i32
        %dma_wait3A_566 = tpu.memref_slice %arg4[%add3A_547, %dma_wait3A_565] : memref<819200x64xf32, #tpu.memory_space<hbm>> -> memref<512x64xf32, #tpu.memory_space<hbm>>
        %dma_wait3A_567 = arith.constant 0 : i32
        %dma_wait3A_568 = tpu.memref_slice %arg4[%add3A_547, %dma_wait3A_567] : memref<819200x64xf32, #tpu.memory_space<hbm>> -> memref<512x64xf32, #tpu.memory_space<hbm>>
        %dma_wait3A_569 = arith.constant 0 : i32
        %dma_wait3A_570 = arith.constant 0 : i32
        %dma_wait3A_571 = tpu.memref_slice %arg7[%scan3A_70, %dma_wait3A_569, %dma_wait3A_570] : memref<2x512x64xf32, #tpu.memory_space<vmem>> -> memref<1x512x64xf32, #tpu.memory_space<vmem>>
        %dma_wait3A_572 = tpu.memref_squeeze %dma_wait3A_571 : memref<1x512x64xf32, #tpu.memory_space<vmem>> -> memref<512x64xf32, #tpu.memory_space<vmem>>
        tpu.wait_dma2 semaphore(%run_scoped3A_548 : memref<!tpu.dma_semaphore, #tpu.memory_space<semaphore_mem>>) src(%dma_wait3A_572 : memref<512x64xf32, #tpu.memory_space<vmem>>) dst(%dma_wait3A_568 : memref<512x64xf32, #tpu.memory_space<hbm>>)
        tpu.yield
      }) : () -> ()
    }
    %scan3A_76 = arith.constant 24 : i32
    %dma_start3A_77 = arith.constant 196 : i32
    %dma_start3A_78 = arith.constant 1 : i32
    %dma_start3A_79 = arith.constant 0 : i32
    %dma_start3A_80 = arith.constant 0 : i32
    %dma_start3A_81 = tpu.memref_slice %arg7[%dma_start3A_78, %dma_start3A_79, %dma_start3A_80] : memref<2x512x64xf32, #tpu.memory_space<vmem>> -> memref<1x512x64xf32, #tpu.memory_space<vmem>>
    %dma_start3A_82 = tpu.memref_squeeze %dma_start3A_81 : memref<1x512x64xf32, #tpu.memory_space<vmem>> -> memref<512x64xf32, #tpu.memory_space<vmem>>
    %dma_start3A_83 = arith.constant 0 : i32
    %dma_start3A_84 = arith.constant 0 : i32
    %dma_start3A_85 = tpu.memref_slice %dma_start3A_82[%dma_start3A_83, %dma_start3A_84] : memref<512x64xf32, #tpu.memory_space<vmem>> -> memref<128x64xf32, #tpu.memory_space<vmem>>
    %dma_start3A_86 = arith.constant 0 : i32
    %dma_start3A_87 = tpu.memref_slice %arg6[%dma_start3A_77, %dma_start3A_86] : memref<200x128xi32, #tpu.memory_space<vmem>> -> memref<1x128xi32, #tpu.memory_space<vmem>>
    %dma_start3A_88 = tpu.memref_squeeze %dma_start3A_87 : memref<1x128xi32, #tpu.memory_space<vmem>> -> memref<128xi32, #tpu.memory_space<vmem>>
    %dma_start3A_89 = arith.constant 0 : i32
    %dma_start3A_90 = arith.constant 0 : i32
    %dma_start3A_91 = tpu.memref_slice %arg3[%dma_start3A_89, %dma_start3A_90] : memref<1000000x64xf32, #tpu.memory_space<hbm>> -> memref<1000000x64xf32, #tpu.memory_space<hbm>>
    tpu.enqueue_indirect_dma source(%dma_start3A_91 : memref<1000000x64xf32, #tpu.memory_space<hbm>>) target(%dma_start3A_85 : memref<128x64xf32, #tpu.memory_space<vmem>>) offsets(%dma_start3A_88 : memref<128xi32, #tpu.memory_space<vmem>>) semaphore(%arg9 : memref<!tpu.dma_semaphore, #tpu.memory_space<semaphore_mem>>)
    %dma_start3A_92 = arith.constant 197 : i32
    %dma_start3A_93 = arith.constant 1 : i32
    %dma_start3A_94 = arith.constant 0 : i32
    %dma_start3A_95 = arith.constant 0 : i32
    %dma_start3A_96 = tpu.memref_slice %arg7[%dma_start3A_93, %dma_start3A_94, %dma_start3A_95] : memref<2x512x64xf32, #tpu.memory_space<vmem>> -> memref<1x512x64xf32, #tpu.memory_space<vmem>>
    %dma_start3A_97 = tpu.memref_squeeze %dma_start3A_96 : memref<1x512x64xf32, #tpu.memory_space<vmem>> -> memref<512x64xf32, #tpu.memory_space<vmem>>
    %dma_start3A_98 = arith.constant 128 : i32
    %dma_start3A_99 = arith.constant 0 : i32
    %dma_start3A_100 = tpu.memref_slice %dma_start3A_97[%dma_start3A_98, %dma_start3A_99] : memref<512x64xf32, #tpu.memory_space<vmem>> -> memref<128x64xf32, #tpu.memory_space<vmem>>
    %dma_start3A_101 = arith.constant 0 : i32
    %dma_start3A_102 = tpu.memref_slice %arg6[%dma_start3A_92, %dma_start3A_101] : memref<200x128xi32, #tpu.memory_space<vmem>> -> memref<1x128xi32, #tpu.memory_space<vmem>>
    %dma_start3A_103 = tpu.memref_squeeze %dma_start3A_102 : memref<1x128xi32, #tpu.memory_space<vmem>> -> memref<128xi32, #tpu.memory_space<vmem>>
    %dma_start3A_104 = arith.constant 0 : i32
    %dma_start3A_105 = arith.constant 0 : i32
    %dma_start3A_106 = tpu.memref_slice %arg3[%dma_start3A_104, %dma_start3A_105] : memref<1000000x64xf32, #tpu.memory_space<hbm>> -> memref<1000000x64xf32, #tpu.memory_space<hbm>>
    tpu.enqueue_indirect_dma source(%dma_start3A_106 : memref<1000000x64xf32, #tpu.memory_space<hbm>>) target(%dma_start3A_100 : memref<128x64xf32, #tpu.memory_space<vmem>>) offsets(%dma_start3A_103 : memref<128xi32, #tpu.memory_space<vmem>>) semaphore(%arg9 : memref<!tpu.dma_semaphore, #tpu.memory_space<semaphore_mem>>)
    %dma_start3A_107 = arith.constant 198 : i32
    %dma_start3A_108 = arith.constant 1 : i32
    %dma_start3A_109 = arith.constant 0 : i32
    %dma_start3A_110 = arith.constant 0 : i32
    %dma_start3A_111 = tpu.memref_slice %arg7[%dma_start3A_108, %dma_start3A_109, %dma_start3A_110] : memref<2x512x64xf32, #tpu.memory_space<vmem>> -> memref<1x512x64xf32, #tpu.memory_space<vmem>>
    %dma_start3A_112 = tpu.memref_squeeze %dma_start3A_111 : memref<1x512x64xf32, #tpu.memory_space<vmem>> -> memref<512x64xf32, #tpu.memory_space<vmem>>
    %dma_start3A_113 = arith.constant 256 : i32
    %dma_start3A_114 = arith.constant 0 : i32
    %dma_start3A_115 = tpu.memref_slice %dma_start3A_112[%dma_start3A_113, %dma_start3A_114] : memref<512x64xf32, #tpu.memory_space<vmem>> -> memref<128x64xf32, #tpu.memory_space<vmem>>
    %dma_start3A_116 = arith.constant 0 : i32
    %dma_start3A_117 = tpu.memref_slice %arg6[%dma_start3A_107, %dma_start3A_116] : memref<200x128xi32, #tpu.memory_space<vmem>> -> memref<1x128xi32, #tpu.memory_space<vmem>>
    %dma_start3A_118 = tpu.memref_squeeze %dma_start3A_117 : memref<1x128xi32, #tpu.memory_space<vmem>> -> memref<128xi32, #tpu.memory_space<vmem>>
    %dma_start3A_119 = arith.constant 0 : i32
    %dma_start3A_120 = arith.constant 0 : i32
    %dma_start3A_121 = tpu.memref_slice %arg3[%dma_start3A_119, %dma_start3A_120] : memref<1000000x64xf32, #tpu.memory_space<hbm>> -> memref<1000000x64xf32, #tpu.memory_space<hbm>>
    tpu.enqueue_indirect_dma source(%dma_start3A_121 : memref<1000000x64xf32, #tpu.memory_space<hbm>>) target(%dma_start3A_115 : memref<128x64xf32, #tpu.memory_space<vmem>>) offsets(%dma_start3A_118 : memref<128xi32, #tpu.memory_space<vmem>>) semaphore(%arg9 : memref<!tpu.dma_semaphore, #tpu.memory_space<semaphore_mem>>)
    %dma_start3A_122 = arith.constant 199 : i32
    %dma_start3A_123 = arith.constant 1 : i32
    %dma_start3A_124 = arith.constant 0 : i32
    %dma_start3A_125 = arith.constant 0 : i32
    %dma_start3A_126 = tpu.memref_slice %arg7[%dma_start3A_123, %dma_start3A_124, %dma_start3A_125] : memref<2x512x64xf32, #tpu.memory_space<vmem>> -> memref<1x512x64xf32, #tpu.memory_space<vmem>>
    %dma_start3A_127 = tpu.memref_squeeze %dma_start3A_126 : memref<1x512x64xf32, #tpu.memory_space<vmem>> -> memref<512x64xf32, #tpu.memory_space<vmem>>
    %dma_start3A_128 = arith.constant 384 : i32
    %dma_start3A_129 = arith.constant 0 : i32
    %dma_start3A_130 = tpu.memref_slice %dma_start3A_127[%dma_start3A_128, %dma_start3A_129] : memref<512x64xf32, #tpu.memory_space<vmem>> -> memref<128x64xf32, #tpu.memory_space<vmem>>
    %dma_start3A_131 = arith.constant 0 : i32
    %dma_start3A_132 = tpu.memref_slice %arg6[%dma_start3A_122, %dma_start3A_131] : memref<200x128xi32, #tpu.memory_space<vmem>> -> memref<1x128xi32, #tpu.memory_space<vmem>>
    %dma_start3A_133 = tpu.memref_squeeze %dma_start3A_132 : memref<1x128xi32, #tpu.memory_space<vmem>> -> memref<128xi32, #tpu.memory_space<vmem>>
    %dma_start3A_134 = arith.constant 0 : i32
    %dma_start3A_135 = arith.constant 0 : i32
    %dma_start3A_136 = tpu.memref_slice %arg3[%dma_start3A_134, %dma_start3A_135] : memref<1000000x64xf32, #tpu.memory_space<hbm>> -> memref<1000000x64xf32, #tpu.memory_space<hbm>>
    tpu.enqueue_indirect_dma source(%dma_start3A_136 : memref<1000000x64xf32, #tpu.memory_space<hbm>>) target(%dma_start3A_130 : memref<128x64xf32, #tpu.memory_space<vmem>>) offsets(%dma_start3A_133 : memref<128xi32, #tpu.memory_space<vmem>>) semaphore(%arg9 : memref<!tpu.dma_semaphore, #tpu.memory_space<semaphore_mem>>)
    %dma_wait3A = arith.constant 192 : i32
    %dma_wait3A_137 = arith.constant 0 : i32
    %dma_wait3A_138 = arith.constant 0 : i32
    %dma_wait3A_139 = arith.constant 0 : i32
    %dma_wait3A_140 = tpu.memref_slice %arg7[%dma_wait3A_137, %dma_wait3A_138, %dma_wait3A_139] : memref<2x512x64xf32, #tpu.memory_space<vmem>> -> memref<1x512x64xf32, #tpu.memory_space<vmem>>
    %dma_wait3A_141 = tpu.memref_squeeze %dma_wait3A_140 : memref<1x512x64xf32, #tpu.memory_space<vmem>> -> memref<512x64xf32, #tpu.memory_space<vmem>>
    %dma_wait3A_142 = arith.constant 0 : i32
    %dma_wait3A_143 = arith.constant 0 : i32
    %dma_wait3A_144 = tpu.memref_slice %dma_wait3A_141[%dma_wait3A_142, %dma_wait3A_143] : memref<512x64xf32, #tpu.memory_space<vmem>> -> memref<128x64xf32, #tpu.memory_space<vmem>>
    %dma_wait3A_145 = arith.constant 0 : i32
    %dma_wait3A_146 = tpu.memref_slice %arg6[%dma_wait3A, %dma_wait3A_145] : memref<200x128xi32, #tpu.memory_space<vmem>> -> memref<1x128xi32, #tpu.memory_space<vmem>>
    %dma_wait3A_147 = tpu.memref_squeeze %dma_wait3A_146 : memref<1x128xi32, #tpu.memory_space<vmem>> -> memref<128xi32, #tpu.memory_space<vmem>>
    %dma_wait3A_148 = arith.constant 0 : i32
    %dma_wait3A_149 = arith.constant 0 : i32
    %dma_wait3A_150 = tpu.memref_slice %arg3[%dma_wait3A_148, %dma_wait3A_149] : memref<1000000x64xf32, #tpu.memory_space<hbm>> -> memref<1000000x64xf32, #tpu.memory_space<hbm>>
    tpu.wait_indirect_dma semaphore(%arg8 : memref<!tpu.dma_semaphore, #tpu.memory_space<semaphore_mem>>) src(%dma_wait3A_150 : memref<1000000x64xf32, #tpu.memory_space<hbm>>) dst(%dma_wait3A_144 : memref<128x64xf32, #tpu.memory_space<vmem>>)
    %dma_wait3A_151 = arith.constant 193 : i32
    %dma_wait3A_152 = arith.constant 0 : i32
    %dma_wait3A_153 = arith.constant 0 : i32
    %dma_wait3A_154 = arith.constant 0 : i32
    %dma_wait3A_155 = tpu.memref_slice %arg7[%dma_wait3A_152, %dma_wait3A_153, %dma_wait3A_154] : memref<2x512x64xf32, #tpu.memory_space<vmem>> -> memref<1x512x64xf32, #tpu.memory_space<vmem>>
    %dma_wait3A_156 = tpu.memref_squeeze %dma_wait3A_155 : memref<1x512x64xf32, #tpu.memory_space<vmem>> -> memref<512x64xf32, #tpu.memory_space<vmem>>
    %dma_wait3A_157 = arith.constant 128 : i32
    %dma_wait3A_158 = arith.constant 0 : i32
    %dma_wait3A_159 = tpu.memref_slice %dma_wait3A_156[%dma_wait3A_157, %dma_wait3A_158] : memref<512x64xf32, #tpu.memory_space<vmem>> -> memref<128x64xf32, #tpu.memory_space<vmem>>
    %dma_wait3A_160 = arith.constant 0 : i32
    %dma_wait3A_161 = tpu.memref_slice %arg6[%dma_wait3A_151, %dma_wait3A_160] : memref<200x128xi32, #tpu.memory_space<vmem>> -> memref<1x128xi32, #tpu.memory_space<vmem>>
    %dma_wait3A_162 = tpu.memref_squeeze %dma_wait3A_161 : memref<1x128xi32, #tpu.memory_space<vmem>> -> memref<128xi32, #tpu.memory_space<vmem>>
    %dma_wait3A_163 = arith.constant 0 : i32
    %dma_wait3A_164 = arith.constant 0 : i32
    %dma_wait3A_165 = tpu.memref_slice %arg3[%dma_wait3A_163, %dma_wait3A_164] : memref<1000000x64xf32, #tpu.memory_space<hbm>> -> memref<1000000x64xf32, #tpu.memory_space<hbm>>
    tpu.wait_indirect_dma semaphore(%arg8 : memref<!tpu.dma_semaphore, #tpu.memory_space<semaphore_mem>>) src(%dma_wait3A_165 : memref<1000000x64xf32, #tpu.memory_space<hbm>>) dst(%dma_wait3A_159 : memref<128x64xf32, #tpu.memory_space<vmem>>)
    %dma_wait3A_166 = arith.constant 194 : i32
    %dma_wait3A_167 = arith.constant 0 : i32
    %dma_wait3A_168 = arith.constant 0 : i32
    %dma_wait3A_169 = arith.constant 0 : i32
    %dma_wait3A_170 = tpu.memref_slice %arg7[%dma_wait3A_167, %dma_wait3A_168, %dma_wait3A_169] : memref<2x512x64xf32, #tpu.memory_space<vmem>> -> memref<1x512x64xf32, #tpu.memory_space<vmem>>
    %dma_wait3A_171 = tpu.memref_squeeze %dma_wait3A_170 : memref<1x512x64xf32, #tpu.memory_space<vmem>> -> memref<512x64xf32, #tpu.memory_space<vmem>>
    %dma_wait3A_172 = arith.constant 256 : i32
    %dma_wait3A_173 = arith.constant 0 : i32
    %dma_wait3A_174 = tpu.memref_slice %dma_wait3A_171[%dma_wait3A_172, %dma_wait3A_173] : memref<512x64xf32, #tpu.memory_space<vmem>> -> memref<128x64xf32, #tpu.memory_space<vmem>>
    %dma_wait3A_175 = arith.constant 0 : i32
    %dma_wait3A_176 = tpu.memref_slice %arg6[%dma_wait3A_166, %dma_wait3A_175] : memref<200x128xi32, #tpu.memory_space<vmem>> -> memref<1x128xi32, #tpu.memory_space<vmem>>
    %dma_wait3A_177 = tpu.memref_squeeze %dma_wait3A_176 : memref<1x128xi32, #tpu.memory_space<vmem>> -> memref<128xi32, #tpu.memory_space<vmem>>
    %dma_wait3A_178 = arith.constant 0 : i32
    %dma_wait3A_179 = arith.constant 0 : i32
    %dma_wait3A_180 = tpu.memref_slice %arg3[%dma_wait3A_178, %dma_wait3A_179] : memref<1000000x64xf32, #tpu.memory_space<hbm>> -> memref<1000000x64xf32, #tpu.memory_space<hbm>>
    tpu.wait_indirect_dma semaphore(%arg8 : memref<!tpu.dma_semaphore, #tpu.memory_space<semaphore_mem>>) src(%dma_wait3A_180 : memref<1000000x64xf32, #tpu.memory_space<hbm>>) dst(%dma_wait3A_174 : memref<128x64xf32, #tpu.memory_space<vmem>>)
    %dma_wait3A_181 = arith.constant 195 : i32
    %dma_wait3A_182 = arith.constant 0 : i32
    %dma_wait3A_183 = arith.constant 0 : i32
    %dma_wait3A_184 = arith.constant 0 : i32
    %dma_wait3A_185 = tpu.memref_slice %arg7[%dma_wait3A_182, %dma_wait3A_183, %dma_wait3A_184] : memref<2x512x64xf32, #tpu.memory_space<vmem>> -> memref<1x512x64xf32, #tpu.memory_space<vmem>>
    %dma_wait3A_186 = tpu.memref_squeeze %dma_wait3A_185 : memref<1x512x64xf32, #tpu.memory_space<vmem>> -> memref<512x64xf32, #tpu.memory_space<vmem>>
    %dma_wait3A_187 = arith.constant 384 : i32
    %dma_wait3A_188 = arith.constant 0 : i32
    %dma_wait3A_189 = tpu.memref_slice %dma_wait3A_186[%dma_wait3A_187, %dma_wait3A_188] : memref<512x64xf32, #tpu.memory_space<vmem>> -> memref<128x64xf32, #tpu.memory_space<vmem>>
    %dma_wait3A_190 = arith.constant 0 : i32
    %dma_wait3A_191 = tpu.memref_slice %arg6[%dma_wait3A_181, %dma_wait3A_190] : memref<200x128xi32, #tpu.memory_space<vmem>> -> memref<1x128xi32, #tpu.memory_space<vmem>>
    %dma_wait3A_192 = tpu.memref_squeeze %dma_wait3A_191 : memref<1x128xi32, #tpu.memory_space<vmem>> -> memref<128xi32, #tpu.memory_space<vmem>>
    %dma_wait3A_193 = arith.constant 0 : i32
    %dma_wait3A_194 = arith.constant 0 : i32
    %dma_wait3A_195 = tpu.memref_slice %arg3[%dma_wait3A_193, %dma_wait3A_194] : memref<1000000x64xf32, #tpu.memory_space<hbm>> -> memref<1000000x64xf32, #tpu.memory_space<hbm>>
    tpu.wait_indirect_dma semaphore(%arg8 : memref<!tpu.dma_semaphore, #tpu.memory_space<semaphore_mem>>) src(%dma_wait3A_195 : memref<1000000x64xf32, #tpu.memory_space<hbm>>) dst(%dma_wait3A_189 : memref<128x64xf32, #tpu.memory_space<vmem>>)
    %add3A_196 = arith.constant 24576 : i32
    %add3A_197 = arith.addi %mul3A_4, %add3A_196 : i32
    %run_scoped3A = arith.constant 0 : i32
    "tpu.region"() ({
      %run_scoped3A_261 = tpu.sem_alloc : memref<!tpu.dma_semaphore, #tpu.memory_space<semaphore_mem>>
      %dma_start3A_262 = arith.constant 0 : i32
      %dma_start3A_263 = arith.constant 0 : i32
      %dma_start3A_264 = tpu.memref_slice %arg7[%run_scoped3A, %dma_start3A_262, %dma_start3A_263] : memref<2x512x64xf32, #tpu.memory_space<vmem>> -> memref<1x512x64xf32, #tpu.memory_space<vmem>>
      %dma_start3A_265 = tpu.memref_squeeze %dma_start3A_264 : memref<1x512x64xf32, #tpu.memory_space<vmem>> -> memref<512x64xf32, #tpu.memory_space<vmem>>
      %dma_start3A_266 = arith.constant 0 : i32
      %dma_start3A_267 = tpu.memref_slice %arg4[%add3A_197, %dma_start3A_266] : memref<819200x64xf32, #tpu.memory_space<hbm>> -> memref<512x64xf32, #tpu.memory_space<hbm>>
      %dma_start3A_268 = arith.constant 0 : i32
      %dma_start3A_269 = tpu.memref_slice %arg4[%add3A_197, %dma_start3A_268] : memref<819200x64xf32, #tpu.memory_space<hbm>> -> memref<512x64xf32, #tpu.memory_space<hbm>>
      %dma_start3A_270 = arith.constant 0 : i32
      %dma_start3A_271 = arith.constant 0 : i32
      %dma_start3A_272 = tpu.memref_slice %arg7[%run_scoped3A, %dma_start3A_270, %dma_start3A_271] : memref<2x512x64xf32, #tpu.memory_space<vmem>> -> memref<1x512x64xf32, #tpu.memory_space<vmem>>
      %dma_start3A_273 = tpu.memref_squeeze %dma_start3A_272 : memref<1x512x64xf32, #tpu.memory_space<vmem>> -> memref<512x64xf32, #tpu.memory_space<vmem>>
      tpu.enqueue_dma source(%dma_start3A_273 : memref<512x64xf32, #tpu.memory_space<vmem>>) target(%dma_start3A_269 : memref<512x64xf32, #tpu.memory_space<hbm>>) target_semaphore(%run_scoped3A_261 : memref<!tpu.dma_semaphore, #tpu.memory_space<semaphore_mem>>)
      %dma_wait3A_274 = arith.constant 0 : i32
      %dma_wait3A_275 = arith.constant 0 : i32
      %dma_wait3A_276 = tpu.memref_slice %arg7[%run_scoped3A, %dma_wait3A_274, %dma_wait3A_275] : memref<2x512x64xf32, #tpu.memory_space<vmem>> -> memref<1x512x64xf32, #tpu.memory_space<vmem>>
      %dma_wait3A_277 = tpu.memref_squeeze %dma_wait3A_276 : memref<1x512x64xf32, #tpu.memory_space<vmem>> -> memref<512x64xf32, #tpu.memory_space<vmem>>
      %dma_wait3A_278 = arith.constant 0 : i32
      %dma_wait3A_279 = tpu.memref_slice %arg4[%add3A_197, %dma_wait3A_278] : memref<819200x64xf32, #tpu.memory_space<hbm>> -> memref<512x64xf32, #tpu.memory_space<hbm>>
      %dma_wait3A_280 = arith.constant 0 : i32
      %dma_wait3A_281 = tpu.memref_slice %arg4[%add3A_197, %dma_wait3A_280] : memref<819200x64xf32, #tpu.memory_space<hbm>> -> memref<512x64xf32, #tpu.memory_space<hbm>>
      %dma_wait3A_282 = arith.constant 0 : i32
      %dma_wait3A_283 = arith.constant 0 : i32
      %dma_wait3A_284 = tpu.memref_slice %arg7[%run_scoped3A, %dma_wait3A_282, %dma_wait3A_283] : memref<2x512x64xf32, #tpu.memory_space<vmem>> -> memref<1x512x64xf32, #tpu.memory_space<vmem>>
      %dma_wait3A_285 = tpu.memref_squeeze %dma_wait3A_284 : memref<1x512x64xf32, #tpu.memory_space<vmem>> -> memref<512x64xf32, #tpu.memory_space<vmem>>
      tpu.wait_dma2 semaphore(%run_scoped3A_261 : memref<!tpu.dma_semaphore, #tpu.memory_space<semaphore_mem>>) src(%dma_wait3A_285 : memref<512x64xf32, #tpu.memory_space<vmem>>) dst(%dma_wait3A_281 : memref<512x64xf32, #tpu.memory_space<hbm>>)
      tpu.yield
    }) : () -> ()
    %dma_wait3A_198 = arith.constant 196 : i32
    %dma_wait3A_199 = arith.constant 1 : i32
    %dma_wait3A_200 = arith.constant 0 : i32
    %dma_wait3A_201 = arith.constant 0 : i32
    %dma_wait3A_202 = tpu.memref_slice %arg7[%dma_wait3A_199, %dma_wait3A_200, %dma_wait3A_201] : memref<2x512x64xf32, #tpu.memory_space<vmem>> -> memref<1x512x64xf32, #tpu.memory_space<vmem>>
    %dma_wait3A_203 = tpu.memref_squeeze %dma_wait3A_202 : memref<1x512x64xf32, #tpu.memory_space<vmem>> -> memref<512x64xf32, #tpu.memory_space<vmem>>
    %dma_wait3A_204 = arith.constant 0 : i32
    %dma_wait3A_205 = arith.constant 0 : i32
    %dma_wait3A_206 = tpu.memref_slice %dma_wait3A_203[%dma_wait3A_204, %dma_wait3A_205] : memref<512x64xf32, #tpu.memory_space<vmem>> -> memref<128x64xf32, #tpu.memory_space<vmem>>
    %dma_wait3A_207 = arith.constant 0 : i32
    %dma_wait3A_208 = tpu.memref_slice %arg6[%dma_wait3A_198, %dma_wait3A_207] : memref<200x128xi32, #tpu.memory_space<vmem>> -> memref<1x128xi32, #tpu.memory_space<vmem>>
    %dma_wait3A_209 = tpu.memref_squeeze %dma_wait3A_208 : memref<1x128xi32, #tpu.memory_space<vmem>> -> memref<128xi32, #tpu.memory_space<vmem>>
    %dma_wait3A_210 = arith.constant 0 : i32
    %dma_wait3A_211 = arith.constant 0 : i32
    %dma_wait3A_212 = tpu.memref_slice %arg3[%dma_wait3A_210, %dma_wait3A_211] : memref<1000000x64xf32, #tpu.memory_space<hbm>> -> memref<1000000x64xf32, #tpu.memory_space<hbm>>
    tpu.wait_indirect_dma semaphore(%arg9 : memref<!tpu.dma_semaphore, #tpu.memory_space<semaphore_mem>>) src(%dma_wait3A_212 : memref<1000000x64xf32, #tpu.memory_space<hbm>>) dst(%dma_wait3A_206 : memref<128x64xf32, #tpu.memory_space<vmem>>)
    %dma_wait3A_213 = arith.constant 197 : i32
    %dma_wait3A_214 = arith.constant 1 : i32
    %dma_wait3A_215 = arith.constant 0 : i32
    %dma_wait3A_216 = arith.constant 0 : i32
    %dma_wait3A_217 = tpu.memref_slice %arg7[%dma_wait3A_214, %dma_wait3A_215, %dma_wait3A_216] : memref<2x512x64xf32, #tpu.memory_space<vmem>> -> memref<1x512x64xf32, #tpu.memory_space<vmem>>
    %dma_wait3A_218 = tpu.memref_squeeze %dma_wait3A_217 : memref<1x512x64xf32, #tpu.memory_space<vmem>> -> memref<512x64xf32, #tpu.memory_space<vmem>>
    %dma_wait3A_219 = arith.constant 128 : i32
    %dma_wait3A_220 = arith.constant 0 : i32
    %dma_wait3A_221 = tpu.memref_slice %dma_wait3A_218[%dma_wait3A_219, %dma_wait3A_220] : memref<512x64xf32, #tpu.memory_space<vmem>> -> memref<128x64xf32, #tpu.memory_space<vmem>>
    %dma_wait3A_222 = arith.constant 0 : i32
    %dma_wait3A_223 = tpu.memref_slice %arg6[%dma_wait3A_213, %dma_wait3A_222] : memref<200x128xi32, #tpu.memory_space<vmem>> -> memref<1x128xi32, #tpu.memory_space<vmem>>
    %dma_wait3A_224 = tpu.memref_squeeze %dma_wait3A_223 : memref<1x128xi32, #tpu.memory_space<vmem>> -> memref<128xi32, #tpu.memory_space<vmem>>
    %dma_wait3A_225 = arith.constant 0 : i32
    %dma_wait3A_226 = arith.constant 0 : i32
    %dma_wait3A_227 = tpu.memref_slice %arg3[%dma_wait3A_225, %dma_wait3A_226] : memref<1000000x64xf32, #tpu.memory_space<hbm>> -> memref<1000000x64xf32, #tpu.memory_space<hbm>>
    tpu.wait_indirect_dma semaphore(%arg9 : memref<!tpu.dma_semaphore, #tpu.memory_space<semaphore_mem>>) src(%dma_wait3A_227 : memref<1000000x64xf32, #tpu.memory_space<hbm>>) dst(%dma_wait3A_221 : memref<128x64xf32, #tpu.memory_space<vmem>>)
    %dma_wait3A_228 = arith.constant 198 : i32
    %dma_wait3A_229 = arith.constant 1 : i32
    %dma_wait3A_230 = arith.constant 0 : i32
    %dma_wait3A_231 = arith.constant 0 : i32
    %dma_wait3A_232 = tpu.memref_slice %arg7[%dma_wait3A_229, %dma_wait3A_230, %dma_wait3A_231] : memref<2x512x64xf32, #tpu.memory_space<vmem>> -> memref<1x512x64xf32, #tpu.memory_space<vmem>>
    %dma_wait3A_233 = tpu.memref_squeeze %dma_wait3A_232 : memref<1x512x64xf32, #tpu.memory_space<vmem>> -> memref<512x64xf32, #tpu.memory_space<vmem>>
    %dma_wait3A_234 = arith.constant 256 : i32
    %dma_wait3A_235 = arith.constant 0 : i32
    %dma_wait3A_236 = tpu.memref_slice %dma_wait3A_233[%dma_wait3A_234, %dma_wait3A_235] : memref<512x64xf32, #tpu.memory_space<vmem>> -> memref<128x64xf32, #tpu.memory_space<vmem>>
    %dma_wait3A_237 = arith.constant 0 : i32
    %dma_wait3A_238 = tpu.memref_slice %arg6[%dma_wait3A_228, %dma_wait3A_237] : memref<200x128xi32, #tpu.memory_space<vmem>> -> memref<1x128xi32, #tpu.memory_space<vmem>>
    %dma_wait3A_239 = tpu.memref_squeeze %dma_wait3A_238 : memref<1x128xi32, #tpu.memory_space<vmem>> -> memref<128xi32, #tpu.memory_space<vmem>>
    %dma_wait3A_240 = arith.constant 0 : i32
    %dma_wait3A_241 = arith.constant 0 : i32
    %dma_wait3A_242 = tpu.memref_slice %arg3[%dma_wait3A_240, %dma_wait3A_241] : memref<1000000x64xf32, #tpu.memory_space<hbm>> -> memref<1000000x64xf32, #tpu.memory_space<hbm>>
    tpu.wait_indirect_dma semaphore(%arg9 : memref<!tpu.dma_semaphore, #tpu.memory_space<semaphore_mem>>) src(%dma_wait3A_242 : memref<1000000x64xf32, #tpu.memory_space<hbm>>) dst(%dma_wait3A_236 : memref<128x64xf32, #tpu.memory_space<vmem>>)
    %dma_wait3A_243 = arith.constant 199 : i32
    %dma_wait3A_244 = arith.constant 1 : i32
    %dma_wait3A_245 = arith.constant 0 : i32
    %dma_wait3A_246 = arith.constant 0 : i32
    %dma_wait3A_247 = tpu.memref_slice %arg7[%dma_wait3A_244, %dma_wait3A_245, %dma_wait3A_246] : memref<2x512x64xf32, #tpu.memory_space<vmem>> -> memref<1x512x64xf32, #tpu.memory_space<vmem>>
    %dma_wait3A_248 = tpu.memref_squeeze %dma_wait3A_247 : memref<1x512x64xf32, #tpu.memory_space<vmem>> -> memref<512x64xf32, #tpu.memory_space<vmem>>
    %dma_wait3A_249 = arith.constant 384 : i32
    %dma_wait3A_250 = arith.constant 0 : i32
    %dma_wait3A_251 = tpu.memref_slice %dma_wait3A_248[%dma_wait3A_249, %dma_wait3A_250] : memref<512x64xf32, #tpu.memory_space<vmem>> -> memref<128x64xf32, #tpu.memory_space<vmem>>
    %dma_wait3A_252 = arith.constant 0 : i32
    %dma_wait3A_253 = tpu.memref_slice %arg6[%dma_wait3A_243, %dma_wait3A_252] : memref<200x128xi32, #tpu.memory_space<vmem>> -> memref<1x128xi32, #tpu.memory_space<vmem>>
    %dma_wait3A_254 = tpu.memref_squeeze %dma_wait3A_253 : memref<1x128xi32, #tpu.memory_space<vmem>> -> memref<128xi32, #tpu.memory_space<vmem>>
    %dma_wait3A_255 = arith.constant 0 : i32
    %dma_wait3A_256 = arith.constant 0 : i32
    %dma_wait3A_257 = tpu.memref_slice %arg3[%dma_wait3A_255, %dma_wait3A_256] : memref<1000000x64xf32, #tpu.memory_space<hbm>> -> memref<1000000x64xf32, #tpu.memory_space<hbm>>
    tpu.wait_indirect_dma semaphore(%arg9 : memref<!tpu.dma_semaphore, #tpu.memory_space<semaphore_mem>>) src(%dma_wait3A_257 : memref<1000000x64xf32, #tpu.memory_space<hbm>>) dst(%dma_wait3A_251 : memref<128x64xf32, #tpu.memory_space<vmem>>)
    %add3A_258 = arith.constant 25088 : i32
    %add3A_259 = arith.addi %mul3A_4, %add3A_258 : i32
    %run_scoped3A_260 = arith.constant 1 : i32
    "tpu.region"() ({
      %run_scoped3A_261 = tpu.sem_alloc : memref<!tpu.dma_semaphore, #tpu.memory_space<semaphore_mem>>
      %dma_start3A_262 = arith.constant 0 : i32
      %dma_start3A_263 = arith.constant 0 : i32
      %dma_start3A_264 = tpu.memref_slice %arg7[%run_scoped3A_260, %dma_start3A_262, %dma_start3A_263] : memref<2x512x64xf32, #tpu.memory_space<vmem>> -> memref<1x512x64xf32, #tpu.memory_space<vmem>>
      %dma_start3A_265 = tpu.memref_squeeze %dma_start3A_264 : memref<1x512x64xf32, #tpu.memory_space<vmem>> -> memref<512x64xf32, #tpu.memory_space<vmem>>
      %dma_start3A_266 = arith.constant 0 : i32
      %dma_start3A_267 = tpu.memref_slice %arg4[%add3A_259, %dma_start3A_266] : memref<819200x64xf32, #tpu.memory_space<hbm>> -> memref<512x64xf32, #tpu.memory_space<hbm>>
      %dma_start3A_268 = arith.constant 0 : i32
      %dma_start3A_269 = tpu.memref_slice %arg4[%add3A_259, %dma_start3A_268] : memref<819200x64xf32, #tpu.memory_space<hbm>> -> memref<512x64xf32, #tpu.memory_space<hbm>>
      %dma_start3A_270 = arith.constant 0 : i32
      %dma_start3A_271 = arith.constant 0 : i32
      %dma_start3A_272 = tpu.memref_slice %arg7[%run_scoped3A_260, %dma_start3A_270, %dma_start3A_271] : memref<2x512x64xf32, #tpu.memory_space<vmem>> -> memref<1x512x64xf32, #tpu.memory_space<vmem>>
      %dma_start3A_273 = tpu.memref_squeeze %dma_start3A_272 : memref<1x512x64xf32, #tpu.memory_space<vmem>> -> memref<512x64xf32, #tpu.memory_space<vmem>>
      tpu.enqueue_dma source(%dma_start3A_273 : memref<512x64xf32, #tpu.memory_space<vmem>>) target(%dma_start3A_269 : memref<512x64xf32, #tpu.memory_space<hbm>>) target_semaphore(%run_scoped3A_261 : memref<!tpu.dma_semaphore, #tpu.memory_space<semaphore_mem>>)
      %dma_wait3A_274 = arith.constant 0 : i32
      %dma_wait3A_275 = arith.constant 0 : i32
      %dma_wait3A_276 = tpu.memref_slice %arg7[%run_scoped3A_260, %dma_wait3A_274, %dma_wait3A_275] : memref<2x512x64xf32, #tpu.memory_space<vmem>> -> memref<1x512x64xf32, #tpu.memory_space<vmem>>
      %dma_wait3A_277 = tpu.memref_squeeze %dma_wait3A_276 : memref<1x512x64xf32, #tpu.memory_space<vmem>> -> memref<512x64xf32, #tpu.memory_space<vmem>>
      %dma_wait3A_278 = arith.constant 0 : i32
      %dma_wait3A_279 = tpu.memref_slice %arg4[%add3A_259, %dma_wait3A_278] : memref<819200x64xf32, #tpu.memory_space<hbm>> -> memref<512x64xf32, #tpu.memory_space<hbm>>
      %dma_wait3A_280 = arith.constant 0 : i32
      %dma_wait3A_281 = tpu.memref_slice %arg4[%add3A_259, %dma_wait3A_280] : memref<819200x64xf32, #tpu.memory_space<hbm>> -> memref<512x64xf32, #tpu.memory_space<hbm>>
      %dma_wait3A_282 = arith.constant 0 : i32
      %dma_wait3A_283 = arith.constant 0 : i32
      %dma_wait3A_284 = tpu.memref_slice %arg7[%run_scoped3A_260, %dma_wait3A_282, %dma_wait3A_283] : memref<2x512x64xf32, #tpu.memory_space<vmem>> -> memref<1x512x64xf32, #tpu.memory_space<vmem>>
      %dma_wait3A_285 = tpu.memref_squeeze %dma_wait3A_284 : memref<1x512x64xf32, #tpu.memory_space<vmem>> -> memref<512x64xf32, #tpu.memory_space<vmem>>
      tpu.wait_dma2 semaphore(%run_scoped3A_261 : memref<!tpu.dma_semaphore, #tpu.memory_space<semaphore_mem>>) src(%dma_wait3A_285 : memref<512x64xf32, #tpu.memory_space<vmem>>) dst(%dma_wait3A_281 : memref<512x64xf32, #tpu.memory_space<hbm>>)
      tpu.yield
    }) : () -> ()
    return
  }
}

</mosaic_0001>

<sc_bundles>
// kernel: kernel.3.cloned.1.call-start
scs
__scs_entry_jumppad:
0x0: {  	(pc) =	sbr.rel $0x88, $3  }
0x1: {  	(tag) =	ssettag $0x0;
	lr =	simm.s32 $0x1  }
0x2: {  	[smem:$0x3F9F] =	sst lr;
	_ =	strace $0xD0000000  }
0x3: {  	_ = 	snop  }
0x4: {  	_ = 	snop  }
0x5: {  	_ = 	snop  }
0x6: {  	_ = 	snop  }
0x7: {  	_ = 	snop  }
__scs_overlays_trampoline_lowered:
0x8: {  	[smem:$0x3FAE] =	sst s0  }
0x9: {  	[smem:$0x3FAF] =	sst s1  }
0xa: {  	[smem:$0x3FB0] =	sst s2  }
0xb: {  	[smem:$0x3FB1] =	sst s3  }
0xc: {  	[smem:$0x3FB2] =	sst s4  }
0xd: {  	[smem:$0x3FB3] =	sst s5  }
0xe: {  	[smem:$0x3FB4] =	sst s6  }
0xf: {  	[smem:$0x3FB5] =	sst s7  }
0x10: {  	[smem:$0x3FB6] =	sst s8  }
0x11: {  	[smem:$0x3FB7] =	sst s9;
	s0 =	simm.s32 @!p0 $0x0  }
0x12: {  	s1 =	sld [smem:$0x3F9D];
	s0 =	simm.s32 @p0 $0x1  }
0x13: {  	[smem:$0x3FB8] =	sst s0;
	s0 =	simm.s32 @!p1 $0x0  }
0x14: {  	s2 =	sld [smem:$0x3F9C];
	s0 =	simm.s32 @p1 $0x1  }
0x15: {  	[smem:$0x3FB9] =	sst s0;
	s0 =	simm.s32 @!p2 $0x0  }
0x16: {  	s3 =	sld [smem:$0x3FDB];
	s0 =	simm.s32 @p2 $0x1  }
0x17: {  	s4 =	simm.s32 $0x1BF5;
	[smem:$0x3FBB] =	sst s0  }
0x18: {  	s0 =	sld [smem:$0x3F9E];
	_ =	swait.ge [sflag:s4], $0x0  }
0x19: {  	s7 =	sld [smem:$0x3F9F]  }
0x1a: {  	s8 =	sadd.s32 $0xFFFFE003, lr  }
0x1b: {  	s9 =	sadd.s32 $0xFFFFFEF7, lr;
	s5 =	simm.s32 $0xFFFFFFFF;
	p2 =	slt.u32 s8, $0xFFFFF086  }
0x1c: {  	p1 =	slt.u32 s9, $0xF7A;
	s5 =	simm.s32 @!p2 $0x0  }
0x1d: {  	s5 =	simm.s32 @p1 $0x1;
	p0 =	seq.s32 s7, s2  }
0x1e: {  	s7 =	smul.u32 @!p0 $0xF7A, s2;
	p2 =	seq.s32 @!p0 s5, $0x0  }
0x1f: {  	s9 =	smul.u32 $0xF7A, s1;
	s8 =	simm.s32 @!p0 $0x1BF5;
	p2 =	por !p2, p0  }
0x20: {  	[sflag:s8] =	ssyncset.s32 @!p0 $0xFFFFF086;
	s6 =	sadd.s32 @!p0 s3, s7;
	s7 =	simm.s32 @!p0 $0x108  }
0x21: {  	s3 =	sadd.s32 s3, s9;
	s6 =	sadd.s32 @!p0 $0x88, s6;
	s7 =	simm.s32 @p2 $0x1082  }
0x22: {  	[simem:s7], [sflag:s8] =	dma.local @!p0 [hbm:s6], $0xF7A  }
0x23: {  	s9 =	sor.u32 $0xD0000000, s2;
	s6 =	simm.s32 $0x108;
	_ =	swait.ge @!p0 [sflag:s8], $0x0  }
0x24: {  	s3 =	sadd.s32 $0x88, s3;
	s6 =	simm.s32 @!p1 $0x1082;
	[sflag:s4] =	ssyncset.s32 $0xFFFFF086  }
0x25: {  	[simem:s6], [sflag:s4] =	dma.local [hbm:s3], $0xF7A  }
0x26: {  	[smem:$0x3F9F] =	sst s1;
	(tag) =	ssettag s2;
	_ =	strace s9  }
0x27: {  	s1 =	sld [smem:$0x3FAF]  }
0x28: {  	s2 =	sld [smem:$0x3FB0]  }
0x29: {  	s4 =	sld [smem:$0x3FB2]  }
0x2a: {  	p0 =	seq.s32 s5, $0x0;
	s5 =	sld [smem:$0x3FB3]  }
0x2b: {  	s6 =	sld [smem:$0x3FB4]  }
0x2c: {  	s7 =	sld [smem:$0x3FB5]  }
0x2d: {  	s3 =	simm.s32 $0x108;
	s8 =	sld [smem:$0x3FB6]  }
0x2e: {  	s3 =	simm.s32 @!p0 $0x1082;
	s9 =	sld [smem:$0x3FB7]  }
0x2f: {  	lr =	sadd.s32 s0, s3;
	s0 =	sld [smem:$0x3FAE]  }
0x30: {  	s3 =	sld [smem:$0x3FB1]  }
0x31: {  	[smem:$0x3FBA] =	sst s10  }
0x32: {  	s10 =	sld [smem:$0x3FB8];
	_ =	sdelay $0x3  }
0x33: {  	p0 =	seq.s32 s10, $0x1;
	s10 =	sld [smem:$0x3FBA];
	_ =	sdelay $0x3  }
0x34: {  	[smem:$0x3FBA] =	sst s10  }
0x35: {  	s10 =	sld [smem:$0x3FB9];
	_ =	sdelay $0x3  }
0x36: {  	p1 =	seq.s32 s10, $0x1;
	s10 =	sld [smem:$0x3FBA];
	_ =	sdelay $0x3  }
0x37: {  	[smem:$0x3FBA] =	sst s10  }
0x38: {  	s10 =	sld [smem:$0x3FBB]  }
0x39: {  	_ = 	snop;
	(pc) =	sbr.ind lr, $3  }
0x3a: {  	_ = 	snop  }
0x3b: {  	_ = 	snop  }
0x3c: {  	p2 =	seq.s32 s10, $0x1;
	s10 =	sld [smem:$0x3FBA]  }
0x3d: {  	_ =	shalt  }
0x3e: {  	_ =	shalt  }
0x3f: {  	_ =	shalt  }
0x40: {  	_ =	shalt  }
0x41: {  	_ =	shalt  }
0x42: {  	_ =	shalt  }
0x43: {  	_ =	shalt  }
0x44: {  	_ =	shalt  }
0x45: {  	_ =	shalt  }
0x46: {  	_ =	shalt  }
0x47: {  	_ =	shalt  }
0x48: {  	_ =	shalt  }
0x49: {  	_ =	shalt  }
0x4a: {  	_ =	shalt  }
0x4b: {  	_ =	shalt  }
0x4c: {  	_ =	shalt  }
0x4d: {  	_ =	shalt  }
0x4e: {  	_ =	shalt  }
0x4f: {  	_ =	shalt  }
0x50: {  	_ =	shalt  }
0x51: {  	_ =	shalt  }
0x52: {  	_ =	shalt  }
0x53: {  	_ =	shalt  }
0x54: {  	_ =	shalt  }
0x55: {  	_ =	shalt  }
0x56: {  	_ =	shalt  }
0x57: {  	_ =	shalt  }
0x58: {  	_ =	shalt  }
0x59: {  	_ =	shalt  }
0x5a: {  	_ =	shalt  }
0x5b: {  	_ =	shalt  }
0x5c: {  	_ =	shalt  }
0x5d: {  	_ =	shalt  }
0x5e: {  	_ =	shalt  }
0x5f: {  	_ =	shalt  }
0x60: {  	_ =	shalt  }
0x61: {  	_ =	shalt  }
0x62: {  	_ =	shalt  }
0x63: {  	_ =	shalt  }
0x64: {  	_ =	shalt  }
0x65: {  	_ =	shalt  }
0x66: {  	_ =	shalt  }
0x67: {  	_ =	shalt  }
0x68: {  	_ =	shalt  }
0x69: {  	_ =	shalt  }
0x6a: {  	_ =	shalt  }
0x6b: {  	_ =	shalt  }
0x6c: {  	_ =	shalt  }
0x6d: {  	_ =	shalt  }
0x6e: {  	_ =	shalt  }
0x6f: {  	_ =	shalt  }
0x70: {  	_ =	shalt  }
0x71: {  	_ =	shalt  }
0x72: {  	_ =	shalt  }
0x73: {  	_ =	shalt  }
0x74: {  	_ =	shalt  }
0x75: {  	_ =	shalt  }
0x76: {  	_ =	shalt  }
0x77: {  	_ =	shalt  }
0x78: {  	_ =	shalt  }
0x79: {  	_ =	shalt  }
0x7a: {  	_ =	shalt  }
0x7b: {  	_ =	shalt  }
0x7c: {  	_ =	shalt  }
0x7d: {  	_ =	shalt  }
0x7e: {  	_ =	shalt  }
0x7f: {  	_ =	shalt  }
0x80: {  	_ =	shalt  }
0x81: {  	_ =	shalt  }
0x82: {  	_ =	shalt  }
0x83: {  	_ =	shalt  }
0x84: {  	_ =	shalt  }
0x85: {  	_ =	shalt  }
0x86: {  	_ =	shalt  }
0x87: {  	_ =	shalt  }
.Lfunc_end0:
.L_simem_size_0:
called_computation.1_lowered:
.L_overlay_start_0:
0x88: {  	s2 =	sld [smem:$0x3FD9]  }
0x89: {  	s3 =	sld [smem:$0x3FFE];
	_ =	sdelay $0x1  }
0x8a: {  	s1 =	srdreg.scid  }
0x8b: {  	s0 =	sand.u32 $0x1, s1  }
0x8c: {  	s17 =	sshll.u32 s0, $0xA;
	s2 =	sadd.s32 s3, s2  }
0x8d: {  	s2 =	sadd.s32 s2, s17  }
0x8e: {  	[smem:$0x3FC6] =	sst s2  }
0x8f: {  	_ = 	snop  }
0x90: {  	s2 =	sld [smem:$0x3FD0];
	(tm) =	ssettm $0x1  }
0x91: {  	s18 =	sld [smem:$0x3FFB];
	_ =	sdelay $0x3  }
0x92: {  	_ =	strace s18  }
0x93: {  	s3 =	sld [smem:$0x3FFC];
	_ =	sdelay $0x3  }
0x94: {  	_ =	strace s3  }
0x95: {  	s3 =	sld [smem:$0x3FFD];
	_ =	sdelay $0x3  }
0x96: {  	_ =	strace s3  }
0x97: {  	_ =	strace $0x8FFFFFFF  }
0x98: {  	s19 =	sld [smem:$0x3FDB];
	_ =	sdelay $0x1  }
0x99: {  	s4 =	simm.s32 $_scs_section_size  }
0x9a: {  	s5 =	simm.s32 $_size__tile_overlayer_lowered;
	s6 =	simm.s32 $_tile_overlayer_lowered  }
0x9b: {  	s22 =	simm.s32 $0x1BFF;
	s21 =	sshll.u32 s6, $0x1;
	s3 =	sadd.s32 s4, s19  }
0x9c: {  	s7 =	simm.s32 $0x0;
	s20 =	sshll.u32 s5, $0x1;
	s5 =	sadd.s32 s21, s3  }
0x9d: {  	[timem:s7], [sflag:s22] =	dma.local [hbm:s5], s20  }
0x9e: {  	_ =	swait.ge [sflag:s22], s20  }
0x9f: {  	s4 =	ssub.s32 $0x0, s20;
	[sflag:s22] =	ssyncset.done $0x0  }
0xa0: {  	[sflag:s22] =	ssyncadd.s32 s4;
	_ =	sdelay $0x1  }
0xa1: {  	s23 =	simm.s32 $0x1B8B  }
0xa2: {  	_ =	swait.ge [sflag:s23], $0x1  }
0xa3: {  	[sflag:s23] =	ssyncset.done $0x0  }
0xa4: {  	s25 =	simm.s32 $0x1B8E;
	s24 =	sld [smem:$0x3FFE];
	[sflag:s23] =	ssyncadd.s32 $0xFFFFFFFF  }
0xa5: {  	s26 =	simm.s32 $execute0_lowered;
	[smem:$0x3FD2] =	sst s25  }
0xa6: {  	s5 =	sshll.u32 s26, $0x1;
	_ =	strace $0x80000046;
	[dreg:$0x1] =	wrdreg $0xFFFFFFFF  }
0xa7: {  	s28 =	simm.s32 $_size_execute0_lowered;
	s3 =	sadd.s32 s3, s5;
	[dreg:$0x0] =	wrdreg $0x0  }
0xa8: {  	s5 =	sshll.u32 s28, $0x1;
	[dreg:$0x2] =	wrdreg s3  }
0xa9: {  	[dreg:$0x3] =	wrdreg s5  }
0xaa: {  	[dreg:$0x4] =	wrdreg $0xC0  }
0xab: {  	_ =	task [dreg:s7], $0x5FFFF  }
0xac: {  	[dreg:$0x1] =	wrdreg $0xFFFFFFFF  }
0xad: {  	[dreg:$0x0] =	wrdreg $0x60  }
0xae: {  	[dreg:$0x2] =	wrdreg s24  }
0xaf: {  	[dreg:$0x3] =	wrdreg s2  }
0xb0: {  	[dreg:$0x4] =	wrdreg $0x9  }
0xb1: {  	_ =	task.clear_ibuf [dreg:s7], $0x5FFFF;
	_ =	strace $0x90000046  }
0xb2: {  	s29 =	simm.s32 $0x9;
	_ =	strace $0x80000048  }
0xb3: {  	_ =	swait.ge [sflag:s29], $0x1  }
0xb4: {  	[sflag:s29] =	ssyncadd.s32 $0xFFFFFFFF  }
0xb5: {  	_ =	strace $0x90000048  }
0xb6: {  	_ =	sfence  }
0xb7: {  	s30 =	sld [smem:$0x0];
	_ =	sdelay $0x2  }
0xb8: {  	s31 =	sshll.u32 s1, $0xD;
	s1 =	sshrl.u32 s1, $0x2  }
0xb9: {  	s3 =	sand.u32 $0x4000, s31;
	s1 =	sadd.s32 s1, s30  }
0xba: {  	s0 =	sor.u32 s3, s0;
	s1 =	sshll.u32 s1, $0x11  }
0xbb: {  	s0 =	sor.u32 s1, s0  }
0xbc: {  	s0 =	sadd.s32 $0x8F2B, s0  }
0xbd: {  	[sflag:s0] =	ssyncadd.remote.s32 $0x1  }
0xbe: {  	_ =	sfence.sel $0xFFFF  }
0xbf: {  	[dreg:$0x0] =	wrdreg $0xFFFFFFFF;
	(pc) =	sbr.abs _section_cstart, $3  }
0xc0: {  	[dreg:$0x1] =	wrdreg $0xFFFFFFFF  }
0xc1: {  	_ =	task.clear_ibuf [dreg:s7], $0x2FFFF;
	_ =	strace $0x9FFFFFFF  }
0xc2: {  	(tm) =	ssettm $0x7FFFFFFF  }
0xc3: {  	_ =	shalt  }
tec
execute0_lowered:
.L_overlay_start_1:
0x0: {  	(tag) =	ssettag $0x1  }
0x1: {  	s0 =	srdreg.scid;
	s1 =	rddreg [dreg:$0x0]  }
0x2: {  	s6 =	stileid.u32;
	s9 =	rddreg [dreg:$0x1]  }
0x3: {  	s11 =	simm.s32 $0x80;
	s13 =	simm.s32 $0xD400;
	s15 =	simm.s32 $0xF400  }
0x4: {  	s17 =	simm.s32 $0x11400;
	s19 =	simm.s32 $0x13400;
	s20 =	simm.s32 $0x15400  }
0x5: {  	s21 =	simm.s32 $0x17400;
	s22 =	simm.s32 $0x19400;
	s23 =	simm.s32 $0x1B400  }
0x6: {  	s24 =	simm.s32 $0x1;
	s25 =	simm.s32 $0x2;
	s29 =	simm.s32 $0xD300  }
0x7: {  	s0 =	sand.u32 $0x1, s0;
	s2 =	sshll.u32 s6, $0x1;
	s6 =	smul.u32 $0x320000, s6  }
0x8: {  	s3 =	sor.u32 s0, s2;
	s7 =	ssub.s32 $0x2, s0;
	s0 =	smul.u32 $0x190000, s0  }
0x9: {  	s30 =	simm.s32 $0xD380;
	s2 =	simm.s32 $0x0;
	s4 =	smul.u32 $0xE00, s3  }
0xa: {  	s31 =	simm.s32 $0x0;
	[smem:$0x7FF] =	sst s2;
	s5 =	smul.u32 $0x190000, s3  }
0xb: {  	s3 =	sadd.s32 $0xF42E00, s1;
	s26 =	sshrl.u32 s7, $0x1;
	_ =	strace $0x80000047  }
0xc: {  	s0 =	sadd.s32 s0, s6;
	s4 =	sadd.s32 s4, s1;
	s5 =	sshrl.u32 s5, $0x3  }
0xd: {  	s1 =	ssub.s32 s7, s26;
	s8 =	sor.u32 $0x8000, s0;
	s0 =	sshrl.u32 s0, $0x3  }
0xe: {  	s28 =	sadd.s32 s9, s5;
	s4 =	sadd.s32 $0xA00, s4;
	s10 =	sshrl.u32 s8, $0x3  }
0xf: {  	s7 =	smax.u32 s1, $0x1;
	s8 =	sadd.s32 s0, s9;
	s5 =	sadd.s32 $0x30000, s28  }
0x10: {  	v0 =	vlaneseq.u32;
	s6 =	sadd.s32 $0x31000, s28;
	s9 =	sadd.s32 s10, s9;
	s10 =	simm.s32 $0x3  }
.LBB2_1:
0x11: {  	v1 =	vor.u32 s2, v0  }
0x12: {  	v2 =	vmulhi.u32 $0x51EB851F, v1;
	_ =	sdelay $0x1  }
0x13: {  	v2 =	vshrl.u32 v2, $0x4  }
0x14: {  	v3 =	vmul.u32 $0xFFFFFFCE, v2;
	_ =	sdelay $0x1  }
0x15: {  	s0 =	simm.s32 $0x10;
	v2 =	vmul.u32 $0x38, v2;
	v1 =	vadd.s32 v1, v3  }
0x16: {  	v3 =	vor.u32 s0, v0;
	v4 =	vand.u32 $0x38, v1  }
0x17: {  	v5 =	vmulhi.u32 $0x51EB851F, v3;
	v1 =	vand.u32 $0x7, v1;
	v2 =	vadd.s32 v4, v2  }
0x18: {  	v2 =	vor.u32 v1, v2  }
0x19: {  	[tilespmem:s2], [sflag:$0x3] =	stream.linear.gather [hbm4b:s4+s2], $0x7000, $0x38;
	v1 =	vshrl.u32 v5, $0x4;
	[tilespmem:$0x1D400] =	vst v63  }
0x1a: {  	_ =	swait.ge [sflag:s10], $0x7000;
	v4 =	vmul.u32 $0xFFFFFFCE, v1  }
0x1b: {  	s14 =	simm.s32 $0x40;
	[sflag:s10] =	ssyncset.done $0x0  }
0x1c: {  	s12 =	simm.s32 $0x80;
	s1 =	simm.s32 $0x20;
	[sflag:s10] =	ssyncadd.s32 $0xFFFF9000;
	v3 =	vadd.s32 v3, v4;
	v4 =	vmul.u32 $0x38, v1  }
0x1d: {  	s26 =	simm.s32 $0xC0;
	s16 =	simm.s32 $0x0;
	s18 =	simm.s32 $0x0;
	v1 =	vor.u32 s1, v0;
	v5 =	vand.u32 $0x38, v3;
	v2 =	vld.idx.msk [tilespmem:v2+s2+$0x0], $0xffff  }
.LBB2_2:
0x1e: {  	p0 =	sne.s32 s26, $0x18FC0;
	v6 =	vmulhi.u32 $0x51EB851F, v1;
	v3 =	vand.u32 $0x7, v3;
	v4 =	vadd.s32 v5, v4  }
0x1f: {  	v7 =	vor.u32 v3, v4  }
.Ltmp0:
0x20: {  	s28 =	sand.u32 $0x1FE00, s16;
	s16 =	smov.u32 s14;
	v4 =	vshrl.u32 v6, $0x4;
	(pc) =	sbr.rel @p0 .LBB2_2-.Ltmp0, $4  }
0x21: {  	s14 =	sand.u32 $0x70, s18;
	s18 =	smov.u32 s0;
	s28 =	sshrl.u32 s28, $0x2;
	v3 =	vmul.u32 $0xFFFFFFCE, v4  }
0x22: {  	s0 =	smov.u32 s1;
	s28 =	sor.u32 s14, s28;
	s14 =	smov.u32 s12  }
0x23: {  	s1 =	sadd.s32 $0x10, s1;
	s12 =	smov.u32 s26;
	v4 =	vmul.u32 $0x38, v4;
	v3 =	vadd.s32 v1, v3;
	[tilespmem:s28+$0x7000] =	vst v2  }
0x24: {  	s26 =	sadd.s32 $0x40, s26;
	v1 =	vor.u32 s1, v0;
	v5 =	vand.u32 $0x38, v3;
	v2 =	vld.idx.msk [tilespmem:v7+s2+$0x0], $0xffff  }
0x25: {  	v6 =	vmulhi.u32 $0x51EB851F, v1  }
0x26: {  	v3 =	vand.u32 $0x7, v3;
	v4 =	vadd.s32 v5, v4  }
0x27: {  	v3 =	vor.u32 v3, v4;
	v62 =	vshrl.u32 v6, $0x4  }
0x28: {  	s16 =	sand.u32 $0x1FE00, s16;
	v63 =	vmul.u32 $0xFFFFFFCE, v62  }
0x29: {  	s18 =	sand.u32 $0x70, s18;
	s16 =	sshrl.u32 s16, $0x2  }
0x2a: {  	s16 =	sor.u32 s18, s16;
	v4 =	vmul.u32 $0x38, v62;
	v1 =	vadd.s32 v1, v63  }
0x2b: {  	[tilespmem:s16+$0x7000] =	vst v2;
	v2 =	vand.u32 $0x38, v1  }
0x2c: {  	v3 =	vld.idx.msk [tilespmem:v3+s2+$0x0], $0xffff;
	v1 =	vand.u32 $0x7, v1;
	v2 =	vadd.s32 v2, v4  }
0x2d: {  	v1 =	vor.u32 v1, v2  }
0x2e: {  	s14 =	sand.u32 $0x1FE00, s14  }
0x2f: {  	s0 =	sand.u32 $0x70, s0;
	s14 =	sshrl.u32 s14, $0x2  }
0x30: {  	s0 =	sor.u32 s0, s14  }
0x31: {  	[tilespmem:s0+$0x7000] =	vst v3  }
0x32: {  	v1 =	vld.idx.msk [tilespmem:v1+s2+$0x0], $0xffff;
	_ =	sdelay $0x1  }
0x33: {  	s12 =	sand.u32 $0x1FE00, s12  }
0x34: {  	s1 =	sand.u32 $0x70, s1;
	s0 =	sshrl.u32 s12, $0x2  }
0x35: {  	s0 =	sor.u32 s1, s0  }
0x36: {  	s14 =	simm.s32 $0x7000;
	[tilespmem:s0+$0x7000] =	vst v1  }
0x37: {  	[tilespmem:s13], [sflag:$0x1] =	stream.indirect.gather [hbm4b:s3+s11], $0x40, s14, s11, $0xb8;
	[tilespmem:$0x1D400] =	vst v63  }
0x38: {  	s16 =	simm.s32 $0x7080  }
0x39: {  	[tilespmem:s15], [sflag:$0x1] =	stream.indirect.gather [hbm4b:s3+s11], $0x40, s16, s11, $0xb8;
	[tilespmem:$0x1D400] =	vst v63  }
0x3a: {  	s18 =	simm.s32 $0x7100  }
0x3b: {  	[tilespmem:s17], [sflag:$0x1] =	stream.indirect.gather [hbm4b:s3+s11], $0x40, s18, s11, $0xb8;
	[tilespmem:$0x1D400] =	vst v63  }
0x3c: {  	s26 =	simm.s32 $0x7180  }
0x3d: {  	[tilespmem:s19], [sflag:$0x1] =	stream.indirect.gather [hbm4b:s3+s11], $0x40, s26, s11, $0xb8;
	[tilespmem:$0x1D400] =	vst v63  }
0x3e: {  	s28 =	simm.s32 $0x7200  }
0x3f: {  	[tilespmem:s20], [sflag:$0x2] =	stream.indirect.gather [hbm4b:s3+s11], $0x40, s28, s11, $0xb8;
	[tilespmem:$0x1D400] =	vst v63  }
0x40: {  	s1 =	simm.s32 $0x7280  }
0x41: {  	[tilespmem:s21], [sflag:$0x2] =	stream.indirect.gather [hbm4b:s3+s11], $0x40, s1, s11, $0xb8;
	[tilespmem:$0x1D400] =	vst v63  }
0x42: {  	s12 =	simm.s32 $0x7300  }
0x43: {  	[tilespmem:s22], [sflag:$0x2] =	stream.indirect.gather [hbm4b:s3+s11], $0x40, s12, s11, $0xb8;
	[tilespmem:$0x1D400] =	vst v63  }
0x44: {  	s14 =	simm.s32 $0x7380  }
0x45: {  	[tilespmem:s23], [sflag:$0x2] =	stream.indirect.gather [hbm4b:s3+s11], $0x40, s14, s11, $0xb8;
	[tilespmem:$0x1D400] =	vst v63  }
0x46: {  	_ =	swait.ge [sflag:s24], $0x2000  }
0x47: {  	[sflag:s24] =	ssyncset.done $0x0  }
0x48: {  	[sflag:s24] =	ssyncadd.s32 $0xFFFFE000  }
0x49: {  	_ =	swait.ge [sflag:s24], $0x2000  }
0x4a: {  	[sflag:s24] =	ssyncset.done $0x0  }
0x4b: {  	[sflag:s24] =	ssyncadd.s32 $0xFFFFE000  }
0x4c: {  	_ =	swait.ge [sflag:s24], $0x2000  }
0x4d: {  	[sflag:s24] =	ssyncset.done $0x0  }
0x4e: {  	[sflag:s24] =	ssyncadd.s32 $0xFFFFE000  }
0x4f: {  	_ =	swait.ge [sflag:s24], $0x2000  }
0x50: {  	[sflag:s24] =	ssyncset.done $0x0  }
0x51: {  	[sflag:s24] =	ssyncadd.s32 $0xFFFFE000  }
0x52: {  	[hbm4b:s8+s2] =	stream.linear.scatter [tilespmem:s13], [sflag:$0x3], $0x8000, $0x38;
	[tilespmem:$0x1D400] =	vst v63  }
0x53: {  	_ =	swait.ge [sflag:s10], $0x8000  }
0x54: {  	[sflag:s10] =	ssyncset.done $0x0  }
0x55: {  	s16 =	simm.s32 $0x7400;
	[sflag:s10] =	ssyncadd.s32 $0xFFFF8000  }
0x56: {  	[tilespmem:s13], [sflag:$0x1] =	stream.indirect.gather [hbm4b:s3+s11], $0x40, s16, s11, $0xb8;
	[tilespmem:$0x1D400] =	vst v63  }
0x57: {  	s18 =	simm.s32 $0x7480  }
0x58: {  	[tilespmem:s15], [sflag:$0x1] =	stream.indirect.gather [hbm4b:s3+s11], $0x40, s18, s11, $0xb8;
	[tilespmem:$0x1D400] =	vst v63  }
0x59: {  	s26 =	simm.s32 $0x7500  }
0x5a: {  	[tilespmem:s17], [sflag:$0x1] =	stream.indirect.gather [hbm4b:s3+s11], $0x40, s26, s11, $0xb8;
	[tilespmem:$0x1D400] =	vst v63  }
0x5b: {  	s28 =	simm.s32 $0x7580  }
0x5c: {  	[tilespmem:s19], [sflag:$0x1] =	stream.indirect.gather [hbm4b:s3+s11], $0x40, s28, s11, $0xb8;
	[tilespmem:$0x1D400] =	vst v63  }
0x5d: {  	_ =	swait.ge [sflag:s25], $0x2000  }
0x5e: {  	[sflag:s25] =	ssyncset.done $0x0  }
0x5f: {  	[sflag:s25] =	ssyncadd.s32 $0xFFFFE000  }
0x60: {  	_ =	swait.ge [sflag:s25], $0x2000  }
0x61: {  	[sflag:s25] =	ssyncset.done $0x0  }
0x62: {  	[sflag:s25] =	ssyncadd.s32 $0xFFFFE000  }
0x63: {  	_ =	swait.ge [sflag:s25], $0x2000  }
0x64: {  	[sflag:s25] =	ssyncset.done $0x0  }
0x65: {  	[sflag:s25] =	ssyncadd.s32 $0xFFFFE000  }
0x66: {  	_ =	swait.ge [sflag:s25], $0x2000  }
0x67: {  	[sflag:s25] =	ssyncset.done $0x0  }
0x68: {  	[sflag:s25] =	ssyncadd.s32 $0xFFFFE000  }
0x69: {  	[hbm4b:s9+s2] =	stream.linear.scatter [tilespmem:s20], [sflag:$0x3], $0x8000, $0x38;
	[tilespmem:$0x1D400] =	vst v63  }
0x6a: {  	s0 =	sadd.s32 $0x2000, s8;
	s1 =	sadd.s32 $0x2000, s9;
	_ =	swait.ge [sflag:s10], $0x8000  }
0x6b: {  	s12 =	simm.s32 $0x400;
	s18 =	simm.s32 $0x2000;
	[sflag:s10] =	ssyncset.done $0x0  }
.LBB2_4:
0x6c: {  	s26 =	sadd.s32 $0x7200, s12  }
0x6d: {  	[sflag:s10] =	ssyncadd.s32 $0xFFFF8000;
	s16 =	smov.u32 s18;
	s14 =	sadd.s32 $0x1000, s18  }
0x6e: {  	[tilespmem:s20], [sflag:$0x2] =	stream.indirect.gather [hbm4b:s3+s11], $0x40, s26, s11, $0xb8;
	[tilespmem:$0x1D400] =	vst v63  }
0x6f: {  	p0 =	sne.s32 s18, $0x17000;
	s18 =	sadd.s32 $0x7280, s12  }
0x70: {  	[tilespmem:s21], [sflag:$0x2] =	stream.indirect.gather [hbm4b:s3+s11], $0x40, s18, s11, $0xb8;
	[tilespmem:$0x1D400] =	vst v63  }
0x71: {  	s18 =	sadd.s32 $0x7300, s12  }
0x72: {  	[tilespmem:s22], [sflag:$0x2] =	stream.indirect.gather [hbm4b:s3+s11], $0x40, s18, s11, $0xb8;
	[tilespmem:$0x1D400] =	vst v63  }
0x73: {  	s18 =	sadd.s32 $0x7380, s12  }
0x74: {  	[tilespmem:s23], [sflag:$0x2] =	stream.indirect.gather [hbm4b:s3+s11], $0x40, s18, s11, $0xb8;
	[tilespmem:$0x1D400] =	vst v63  }
0x75: {  	_ =	swait.ge [sflag:s24], $0x2000  }
0x76: {  	[sflag:s24] =	ssyncset.done $0x0  }
0x77: {  	[sflag:s24] =	ssyncadd.s32 $0xFFFFE000  }
0x78: {  	_ =	swait.ge [sflag:s24], $0x2000  }
0x79: {  	[sflag:s24] =	ssyncset.done $0x0  }
0x7a: {  	[sflag:s24] =	ssyncadd.s32 $0xFFFFE000  }
0x7b: {  	_ =	swait.ge [sflag:s24], $0x2000  }
0x7c: {  	[sflag:s24] =	ssyncset.done $0x0  }
0x7d: {  	[sflag:s24] =	ssyncadd.s32 $0xFFFFE000  }
0x7e: {  	_ =	swait.ge [sflag:s24], $0x2000  }
0x7f: {  	[sflag:s24] =	ssyncset.done $0x0  }
0x80: {  	[sflag:s24] =	ssyncadd.s32 $0xFFFFE000  }
0x81: {  	[hbm4b:s0+s2] =	stream.linear.scatter [tilespmem:s13], [sflag:$0x3], $0x8000, $0x38;
	[tilespmem:$0x1D400] =	vst v63  }
0x82: {  	_ =	swait.ge [sflag:s10], $0x8000  }
0x83: {  	[sflag:s10] =	ssyncset.done $0x0  }
0x84: {  	s18 =	sadd.s32 $0x7400, s12;
	[sflag:s10] =	ssyncadd.s32 $0xFFFF8000  }
0x85: {  	[tilespmem:s13], [sflag:$0x1] =	stream.indirect.gather [hbm4b:s3+s11], $0x40, s18, s11, $0xb8;
	[tilespmem:$0x1D400] =	vst v63  }
0x86: {  	s18 =	sadd.s32 $0x7480, s12  }
0x87: {  	[tilespmem:s15], [sflag:$0x1] =	stream.indirect.gather [hbm4b:s3+s11], $0x40, s18, s11, $0xb8;
	[tilespmem:$0x1D400] =	vst v63  }
0x88: {  	s18 =	sadd.s32 $0x7500, s12  }
0x89: {  	[tilespmem:s17], [sflag:$0x1] =	stream.indirect.gather [hbm4b:s3+s11], $0x40, s18, s11, $0xb8;
	[tilespmem:$0x1D400] =	vst v63  }
0x8a: {  	s12 =	sadd.s32 $0x7580, s12  }
0x8b: {  	[tilespmem:s19], [sflag:$0x1] =	stream.indirect.gather [hbm4b:s3+s11], $0x40, s12, s11, $0xb8;
	[tilespmem:$0x1D400] =	vst v63  }
0x8c: {  	_ =	swait.ge [sflag:s25], $0x2000  }
0x8d: {  	[sflag:s25] =	ssyncset.done $0x0  }
0x8e: {  	[sflag:s25] =	ssyncadd.s32 $0xFFFFE000  }
0x8f: {  	_ =	swait.ge [sflag:s25], $0x2000  }
0x90: {  	[sflag:s25] =	ssyncset.done $0x0  }
0x91: {  	[sflag:s25] =	ssyncadd.s32 $0xFFFFE000  }
0x92: {  	_ =	swait.ge [sflag:s25], $0x2000  }
0x93: {  	[sflag:s25] =	ssyncset.done $0x0  }
0x94: {  	[sflag:s25] =	ssyncadd.s32 $0xFFFFE000  }
0x95: {  	_ =	swait.ge [sflag:s25], $0x2000  }
.Ltmp1:
0x96: {  	[sflag:s25] =	ssyncset.done $0x0;
	(pc) =	sbr.rel @p0 .LBB2_4-.Ltmp1, $4  }
0x97: {  	[sflag:s25] =	ssyncadd.s32 $0xFFFFE000  }
0x98: {  	[hbm4b:s1+s2] =	stream.linear.scatter [tilespmem:s20], [sflag:$0x3], $0x8000, $0x38;
	[tilespmem:$0x1D400] =	vst v63  }
0x99: {  	s0 =	sadd.s32 $0x2000, s0;
	s1 =	sadd.s32 $0x2000, s1;
	_ =	swait.ge [sflag:s10], $0x8000  }
0x9a: {  	s18 =	smov.u32 s14;
	s12 =	sshra.s32 s16, $0x2;
	[sflag:s10] =	ssyncset.done $0x0  }
0x9b: {  	s14 =	sadd.s32 $0x7200, s12;
	[sflag:s10] =	ssyncadd.s32 $0xFFFF8000  }
0x9c: {  	[tilespmem:s20], [sflag:$0x2] =	stream.indirect.gather [hbm4b:s3+s11], $0x40, s14, s11, $0xb8;
	[tilespmem:$0x1D400] =	vst v63  }
0x9d: {  	s16 =	sadd.s32 $0x7280, s12  }
0x9e: {  	[tilespmem:s21], [sflag:$0x2] =	stream.indirect.gather [hbm4b:s3+s11], $0x40, s16, s11, $0xb8;
	[tilespmem:$0x1D400] =	vst v63  }
0x9f: {  	s18 =	sadd.s32 $0x7300, s12  }
0xa0: {  	[tilespmem:s22], [sflag:$0x2] =	stream.indirect.gather [hbm4b:s3+s11], $0x40, s18, s11, $0xb8;
	[tilespmem:$0x1D400] =	vst v63  }
0xa1: {  	s26 =	sadd.s32 $0x7380, s12  }
0xa2: {  	[tilespmem:s23], [sflag:$0x2] =	stream.indirect.gather [hbm4b:s3+s11], $0x40, s26, s11, $0xb8;
	[tilespmem:$0x1D400] =	vst v63  }
0xa3: {  	_ =	swait.ge [sflag:s24], $0x2000  }
0xa4: {  	[sflag:s24] =	ssyncset.done $0x0  }
0xa5: {  	[sflag:s24] =	ssyncadd.s32 $0xFFFFE000  }
0xa6: {  	_ =	swait.ge [sflag:s24], $0x2000  }
0xa7: {  	[sflag:s24] =	ssyncset.done $0x0  }
0xa8: {  	[sflag:s24] =	ssyncadd.s32 $0xFFFFE000  }
0xa9: {  	_ =	swait.ge [sflag:s24], $0x2000  }
0xaa: {  	[sflag:s24] =	ssyncset.done $0x0  }
0xab: {  	[sflag:s24] =	ssyncadd.s32 $0xFFFFE000  }
0xac: {  	_ =	swait.ge [sflag:s24], $0x2000  }
0xad: {  	[sflag:s24] =	ssyncset.done $0x0  }
0xae: {  	[sflag:s24] =	ssyncadd.s32 $0xFFFFE000  }
0xaf: {  	[hbm4b:s0+s2] =	stream.linear.scatter [tilespmem:s13], [sflag:$0x3], $0x8000, $0x38;
	[tilespmem:$0x1D400] =	vst v63  }
0xb0: {  	_ =	swait.ge [sflag:s10], $0x8000  }
0xb1: {  	[sflag:s10] =	ssyncset.done $0x0  }
0xb2: {  	s28 =	sadd.s32 $0x7400, s12;
	[sflag:s10] =	ssyncadd.s32 $0xFFFF8000  }
0xb3: {  	[tilespmem:s13], [sflag:$0x1] =	stream.indirect.gather [hbm4b:s3+s11], $0x40, s28, s11, $0xb8;
	[tilespmem:$0x1D400] =	vst v63  }
0xb4: {  	s14 =	sadd.s32 $0x7480, s12  }
0xb5: {  	[tilespmem:s15], [sflag:$0x1] =	stream.indirect.gather [hbm4b:s3+s11], $0x40, s14, s11, $0xb8;
	[tilespmem:$0x1D400] =	vst v63  }
0xb6: {  	s16 =	sadd.s32 $0x7500, s12  }
0xb7: {  	[tilespmem:s17], [sflag:$0x1] =	stream.indirect.gather [hbm4b:s3+s11], $0x40, s16, s11, $0xb8;
	[tilespmem:$0x1D400] =	vst v63  }
0xb8: {  	s18 =	sadd.s32 $0x7580, s12  }
0xb9: {  	[tilespmem:s19], [sflag:$0x1] =	stream.indirect.gather [hbm4b:s3+s11], $0x40, s18, s11, $0xb8;
	[tilespmem:$0x1D400] =	vst v63  }
0xba: {  	_ =	swait.ge [sflag:s25], $0x2000  }
0xbb: {  	[sflag:s25] =	ssyncset.done $0x0  }
0xbc: {  	[sflag:s25] =	ssyncadd.s32 $0xFFFFE000  }
0xbd: {  	_ =	swait.ge [sflag:s25], $0x2000  }
0xbe: {  	[sflag:s25] =	ssyncset.done $0x0  }
0xbf: {  	[sflag:s25] =	ssyncadd.s32 $0xFFFFE000  }
0xc0: {  	_ =	swait.ge [sflag:s25], $0x2000  }
0xc1: {  	[sflag:s25] =	ssyncset.done $0x0  }
0xc2: {  	[sflag:s25] =	ssyncadd.s32 $0xFFFFE000  }
0xc3: {  	_ =	swait.ge [sflag:s25], $0x2000  }
0xc4: {  	[sflag:s25] =	ssyncset.done $0x0  }
0xc5: {  	[sflag:s25] =	ssyncadd.s32 $0xFFFFE000  }
0xc6: {  	[hbm4b:s1+s2] =	stream.linear.scatter [tilespmem:s20], [sflag:$0x3], $0x8000, $0x38;
	[tilespmem:$0x1D400] =	vst v63  }
0xc7: {  	_ =	swait.ge [sflag:s10], $0x8000  }
0xc8: {  	[sflag:s10] =	ssyncset.done $0x0  }
0xc9: {  	s26 =	simm.s32 $0xD200;
	[sflag:s10] =	ssyncadd.s32 $0xFFFF8000  }
0xca: {  	[tilespmem:s20], [sflag:$0x2] =	stream.indirect.gather [hbm4b:s3+s11], $0x40, s26, s11, $0xb8;
	[tilespmem:$0x1D400] =	vst v63  }
0xcb: {  	s28 =	simm.s32 $0xD280  }
0xcc: {  	[tilespmem:s21], [sflag:$0x2] =	stream.indirect.gather [hbm4b:s3+s11], $0x40, s28, s11, $0xb8;
	[tilespmem:$0x1D400] =	vst v63  }
0xcd: {  	_ = 	snop  }
0xce: {  	[tilespmem:s22], [sflag:$0x2] =	stream.indirect.gather [hbm4b:s3+s11], $0x40, s29, s11, $0xb8;
	[tilespmem:$0x1D400] =	vst v63  }
0xcf: {  	_ = 	snop  }
0xd0: {  	[tilespmem:s23], [sflag:$0x2] =	stream.indirect.gather [hbm4b:s3+s11], $0x40, s30, s11, $0xb8;
	[tilespmem:$0x1D400] =	vst v63  }
0xd1: {  	_ =	swait.ge [sflag:s24], $0x2000  }
0xd2: {  	[sflag:s24] =	ssyncset.done $0x0  }
0xd3: {  	[sflag:s24] =	ssyncadd.s32 $0xFFFFE000  }
0xd4: {  	_ =	swait.ge [sflag:s24], $0x2000  }
0xd5: {  	[sflag:s24] =	ssyncset.done $0x0  }
0xd6: {  	[sflag:s24] =	ssyncadd.s32 $0xFFFFE000  }
0xd7: {  	_ =	swait.ge [sflag:s24], $0x2000  }
0xd8: {  	[sflag:s24] =	ssyncset.done $0x0  }
0xd9: {  	[sflag:s24] =	ssyncadd.s32 $0xFFFFE000  }
0xda: {  	_ =	swait.ge [sflag:s24], $0x2000  }
0xdb: {  	[sflag:s24] =	ssyncset.done $0x0  }
0xdc: {  	[sflag:s24] =	ssyncadd.s32 $0xFFFFE000  }
0xdd: {  	[hbm4b:s5+s2] =	stream.linear.scatter [tilespmem:s13], [sflag:$0x3], $0x8000, $0x38;
	[tilespmem:$0x1D400] =	vst v63  }
0xde: {  	_ =	swait.ge [sflag:s10], $0x8000  }
0xdf: {  	[sflag:s10] =	ssyncset.done $0x0  }
0xe0: {  	[sflag:s10] =	ssyncadd.s32 $0xFFFF8000  }
0xe1: {  	_ =	swait.ge [sflag:s25], $0x2000  }
0xe2: {  	[sflag:s25] =	ssyncset.done $0x0  }
0xe3: {  	[sflag:s25] =	ssyncadd.s32 $0xFFFFE000  }
0xe4: {  	_ =	swait.ge [sflag:s25], $0x2000  }
0xe5: {  	[sflag:s25] =	ssyncset.done $0x0  }
0xe6: {  	[sflag:s25] =	ssyncadd.s32 $0xFFFFE000  }
0xe7: {  	_ =	swait.ge [sflag:s25], $0x2000  }
0xe8: {  	[sflag:s25] =	ssyncset.done $0x0  }
0xe9: {  	[sflag:s25] =	ssyncadd.s32 $0xFFFFE000  }
0xea: {  	s31 =	sadd.s32 $0x1, s31;
	_ =	swait.ge [sflag:s25], $0x2000  }
0xeb: {  	p0 =	sne.s32 s31, s7;
	[sflag:s25] =	ssyncset.done $0x0  }
.Ltmp2:
0xec: {  	[sflag:s25] =	ssyncadd.s32 $0xFFFFE000;
	(pc) =	sbr.rel @p0 .LBB2_1-.Ltmp2, $4  }
0xed: {  	[hbm4b:s6+s2] =	stream.linear.scatter [tilespmem:s20], [sflag:$0x3], $0x8000, $0x38;
	[tilespmem:$0x1D400] =	vst v63  }
0xee: {  	_ =	swait.ge [sflag:s10], $0x8000  }
0xef: {  	[sflag:s10] =	ssyncset.done $0x0  }
0xf0: {  	[sflag:s10] =	ssyncadd.s32 $0xFFFF8000  }
0xf1: {  	_ =	sfence.sel $0x180000  }
0xf2: {  	[bflag:$0x0] =	sbarrier.arrive $0xFFFF  }
0xf3: {  	_ =	strace $0x90000047  }
0xf4: {  	s0 =	stileid.u32;
	[bflag:$0x2] =	sbarrier.arrive $0xFFFF  }
0xf5: {  	p0 =	sne.s32 s0, $0x0;
	s0 =	rddreg [dreg:$0x2]  }
0xf6: {  	s0 =	sadd.s32 @!p0 $0x100000, s0  }
0xf7: {  	[sflag:s0] =	ssyncadd.tile.s32 @!p0 $0x1;
	_ =	shalt  }
.Lfunc_end2:
_tile_overlayer_lowered:
.L_overlay_start_2:
0xf8: {  	(tag) =	ssettag $0x2  }
0xf9: {  	s0 =	rddreg [dreg:$0x0];
	s2 =	stileid.u32  }
0xfa: {  	s1 =	rddreg [dreg:$0x1];
	p0 =	sne.s32 s2, $0x0  }
0xfb: {  	s3 =	rddreg [dreg:$0x2];
	[bflag:$0x3] =	sbarrier.arrive $0xFFFF;
	s2 =	simm.s32 @!p0 $0x1C03  }
0xfc: {  	[timem:s3], [sflag:s2] =	dma.local @!p0 [hbm:s0], s1  }
0xfd: {  	s0 =	simm.s32 @!p0 $0x3  }
0xfe: {  	_ =	swait.ge @!p0 [sflag:s0], s1  }
0xff: {  	s1 =	ssub.s32 @!p0 $0x0, s1;
	[sflag:s0] =	ssyncset.done @!p0 $0x0  }
0x100: {  	[sflag:s0] =	ssyncadd.s32 @!p0 s1  }
0x101: {  	[bflag:$0x3] =	sbarrier.arrive $0xFFFF  }
0x102: {  	_ =	shalt  }

// kernel: sparse-core-data-format-call.cloned.1.call-start
scs
called_computation_lowered:
.L_overlay_start_0:
0x0: {  	s2 =	sld [smem:$0x3FD9]  }
0x1: {  	s3 =	sld [smem:$0x3FFE];
	_ =	sdelay $0x1  }
0x2: {  	s1 =	srdreg.scid  }
0x3: {  	s0 =	sand.u32 $0x1, s1  }
0x4: {  	s18 =	sshll.u32 s0, $0xA;
	s2 =	sadd.s32 s3, s2  }
0x5: {  	s2 =	sadd.s32 s2, s18  }
0x6: {  	[smem:$0x3FC6] =	sst s2  }
0x7: {  	_ = 	snop  }
0x8: {  	s2 =	sld [smem:$0x3FD0];
	(tm) =	ssettm $0x1  }
0x9: {  	s19 =	sld [smem:$0x3FFB];
	_ =	sdelay $0x3  }
0xa: {  	_ =	strace s19  }
0xb: {  	s3 =	sld [smem:$0x3FFC];
	_ =	sdelay $0x3  }
0xc: {  	_ =	strace s3  }
0xd: {  	s3 =	sld [smem:$0x3FFD];
	_ =	sdelay $0x3  }
0xe: {  	_ =	strace s3  }
0xf: {  	_ =	strace $0x8FFFFFFF  }
0x10: {  	s20 =	sld [smem:$0x3FDB];
	_ =	sdelay $0x1  }
0x11: {  	s4 =	simm.s32 $_scs_section_size  }
0x12: {  	s5 =	simm.s32 $_size__tile_overlayer_lowered;
	s6 =	simm.s32 $_tile_overlayer_lowered  }
0x13: {  	s23 =	simm.s32 $0x1BFF;
	s22 =	sshll.u32 s6, $0x1;
	s3 =	sadd.s32 s4, s20  }
0x14: {  	s7 =	simm.s32 $0x0;
	s21 =	sshll.u32 s5, $0x1;
	s5 =	sadd.s32 s22, s3  }
0x15: {  	[timem:s7], [sflag:s23] =	dma.local [hbm:s5], s21  }
0x16: {  	_ =	swait.ge [sflag:s23], s21  }
0x17: {  	s4 =	ssub.s32 $0x0, s21;
	[sflag:s23] =	ssyncset.done $0x0  }
0x18: {  	[sflag:s23] =	ssyncadd.s32 s4;
	_ =	sdelay $0x1  }
0x19: {  	s24 =	simm.s32 $0x1B8B  }
0x1a: {  	_ =	swait.ge [sflag:s24], $0x1  }
0x1b: {  	[sflag:s24] =	ssyncset.done $0x0  }
0x1c: {  	s26 =	simm.s32 $0x1B8E;
	s25 =	sld [smem:$0x3FFE];
	[sflag:s24] =	ssyncadd.s32 $0xFFFFFFFF  }
0x1d: {  	s27 =	simm.s32 $execute0_lowered;
	[smem:$0x3FD2] =	sst s26  }
0x1e: {  	s5 =	sshll.u32 s27, $0x1;
	_ =	strace $0x80000049;
	[dreg:$0x1] =	wrdreg $0xFFFFFFFF  }
0x1f: {  	s28 =	simm.s32 $_size_execute0_lowered;
	s3 =	sadd.s32 s3, s5;
	[dreg:$0x0] =	wrdreg $0x0  }
0x20: {  	s5 =	sshll.u32 s28, $0x1;
	[dreg:$0x2] =	wrdreg s3  }
0x21: {  	[dreg:$0x3] =	wrdreg s5  }
0x22: {  	[dreg:$0x4] =	wrdreg $0xC0  }
0x23: {  	_ =	task [dreg:s7], $0x5FFFF  }
0x24: {  	[dreg:$0x1] =	wrdreg $0xFFFFFFFF  }
0x25: {  	[dreg:$0x0] =	wrdreg $0x60  }
0x26: {  	[dreg:$0x2] =	wrdreg s25  }
0x27: {  	[dreg:$0x3] =	wrdreg s2  }
0x28: {  	[dreg:$0x4] =	wrdreg $0x9  }
0x29: {  	_ =	task.clear_ibuf [dreg:s7], $0x5FFFF;
	_ =	strace $0x90000049  }
0x2a: {  	s29 =	simm.s32 $0x9;
	_ =	strace $0x8000004B  }
0x2b: {  	_ =	swait.ge [sflag:s29], $0x1  }
0x2c: {  	[sflag:s29] =	ssyncadd.s32 $0xFFFFFFFF  }
0x2d: {  	_ =	strace $0x9000004B  }
0x2e: {  	_ =	sfence  }
0x2f: {  	s30 =	sld [smem:$0x0];
	_ =	sdelay $0x2  }
0x30: {  	s31 =	sshll.u32 s1, $0xD;
	s1 =	sshrl.u32 s1, $0x2  }
0x31: {  	s3 =	sand.u32 $0x4000, s31;
	s1 =	sadd.s32 s1, s30  }
0x32: {  	s0 =	sor.u32 s3, s0;
	s1 =	sshll.u32 s1, $0x11  }
0x33: {  	s0 =	sor.u32 s1, s0  }
0x34: {  	s0 =	sadd.s32 $0x8F2B, s0  }
0x35: {  	[sflag:s0] =	ssyncadd.remote.s32 $0x1  }
0x36: {  	_ =	sfence.sel $0xFFFF  }
0x37: {  	[dreg:$0x0] =	wrdreg $0xFFFFFFFF;
	(pc) =	sbr.abs _section_cstart, $3  }
0x38: {  	[dreg:$0x1] =	wrdreg $0xFFFFFFFF  }
0x39: {  	_ =	task.clear_ibuf [dreg:s7], $0x2FFFF;
	_ =	strace $0x9FFFFFFF  }
0x3a: {  	(tm) =	ssettm $0x7FFFFFFF  }
0x3b: {  	_ =	shalt  }
tec
execute0_lowered:
.L_overlay_start_1:
0x0: {  	(tag) =	ssettag $0x1  }
0x1: {  	s0 =	srdreg.scid  }
0x2: {  	s1 =	sshll.u32 s0, $0x4  }
0x3: {  	s0 =	stileid.u32;
	s1 =	sand.u32 $0x10, s1  }
0x4: {  	s1 =	sor.u32 s0, s1  }
0x5: {  	s6 =	rddreg [dreg:$0x0];
	s4 =	simm.s32 $0x1;
	s2 =	sshll.u32 s1, $0x7  }
0x6: {  	s7 =	simm.s32 $0x2;
	s12 =	simm.s32 $0x0;
	s1 =	ssub.s32 $0x4000, s2  }
0x7: {  	s8 =	simm.s32 $0x20000;
	s13 =	simm.s32 $0x0;
	s3 =	sand.u32 $0xF80, s1  }
0x8: {  	s9 =	simm.s32 $0x0;
	s5 =	sshrl.u32 s1, $0xC;
	p0 =	sne.s32 s3, $0x0  }
.Ltmp0:
0x9: {  	s1 =	rddreg [dreg:$0x2];
	s4 =	simm.s32 @!p0 $0x0;
	(pc) =	sbr.rel .LBB1_1-.Ltmp0, $4  }
0xa: {  	s11 =	simm.s32 $0x0;
	s3 =	rddreg [dreg:$0x1];
	s5 =	sadd.s32 s4, s5  }
0xb: {  	_ =	strace $0x8000004A;
	s4 =	simm.s32 $0x1;
	s5 =	smul.u32 $0x32, s5  }
0xc: {  	s6 =	sadd.s32 $0xA00, s6;
	s10 =	smov.u32 s2;
	[sflag:s4] =	ssyncpa.u1 $0x0  }
0xd: {  	p0 =	por $0x0, $0x0;
	[sflag:s7] =	ssyncpa.u1 $0x0;
	s7 =	sor.u32 $0x1, s5  }
.LBB1_4:
0xe: {  	s16 =	sshll.u32 s13, $0x3;
	s17 =	sand.u32 $0x78, s13  }
0xf: {  	s30 =	sand.u32 $0x1F800, s13;
	s12 =	sshll.u32 s12, $0x11;
	s16 =	sand.u32 $0x3C00, s16  }
0x10: {  	[tilespmem:s15+$0x810 ss:$0x81] =	vst.msk $0xffff, v2;
	s31 =	sand.u32 $0x7, s13;
	s16 =	sor.u32 s17, s16;
	s17 =	sadd.s32 s3, s30  }
0x11: {  	[tilespmem:s15+$0x1020 ss:$0x81] =	vst.msk $0xffff, v0;
	s13 =	sshll.u32 s31, $0x12;
	s12 =	sadd.s32 s12, s17;
	s16 =	sshrl.u32 s16, $0x3  }
0x12: {  	[tilespmem:s15+$0x0 ss:$0x81] =	vst.msk $0xffff, v1;
	s13 =	sor.u32 $0x400, s13;
	s12 =	sadd.s32 s16, s12  }
0x13: {  	[hbm4b:s12+s13] =	stream.strided.scatter [tilespmem:s14], [sflag:$0x2], $0x2000, s8, s13, $0x20;
	[tilespmem:$0x8080] =	vst v63  }
.LBB1_5:
0x14: {  	s14 =	sadd.s32 $0x1, s9  }
0x15: {  	s12 =	sadd.s32 $0x1000, s10;
	s16 =	smov.u32 s10;
	p2 =	sgt.s32 s14, $0x31  }
0x16: {  	s16 =	smov.u32 @p2 s12  }
0x17: {  	s14 =	simm.s32 @p2 $0x0;
	p2 =	sgt.s32 s16, $0x3FFF  }
0x18: {  	s16 =	smov.u32 @p2 s2;
	p2 =	sne.s32 s11, s7  }
.Ltmp1:
0x19: {  	p1 =	slt.u32 s11, $0x2;
	(pc) =	sbr.rel @!p2 .LBB1_6-.Ltmp1, $4  }
0x1a: {  	s15 =	simm.s32 @!p1 $0x2  }
0x1b: {  	s13 =	smov.u32 s10;
	p0 =	por !p0, !p0;
	_ =	swait.ge @!p1 [sflag:s15], $0x2000  }
0x1c: {  	s12 =	smov.u32 s9;
	[sflag:s15] =	ssyncset.done @!p1 $0x0;
	s9 =	smov.u32 s14  }
0x1d: {  	s11 =	sadd.s32 $0x1, s11;
	[sflag:s15] =	ssyncadd.s32 @!p1 $0xFFFFE000;
	s10 =	smov.u32 s16  }
.LBB1_1:
0x1e: {  	p1 =	sge.u32 s11, s5  }
0x1f: {  	s14 =	sand.u32 @!p1 $0x1FFFFFF, s9  }
0x20: {  	s15 =	smulhi.u32 @!p1 $0x4924925, s14;
	_ =	sdelay $0x1  }
0x21: {  	s15 =	smul.u32 @!p1 $0x38, s15  }
0x22: {  	s16 =	sxor.u32 @!p1 $0xFFFFFFFF, s11;
	s17 =	smul.u32 @!p1 $0x380, s10  }
0x23: {  	s31 =	sadd.s32 $0xFFFFFFFF, s11;
	s16 =	sshll.u32 @!p1 s16, $0xD;
	s14 =	ssub.s32 @!p1 s14, s15  }
0x24: {  	s15 =	sand.u32 @!p1 $0x2000, s16;
	s16 =	sadd.s32 @!p1 s6, s17;
	s14 =	sshll.u32 @!p1 s14, $0x4  }
0x25: {  	s17 =	simm.s32 @!p1 $0x1C00;
	s14 =	sadd.s32 @!p1 s14, s16;
	s16 =	simm.s32 @!p1 $0x40  }
0x26: {  	[tilespmem:s15], [sflag:$0x1] =	stream.strided.gather @!p1 [hbm4b:s14+s16], $0x2000, s17, s16, $0x38;
	[tilespmem:$0x8080] =	vst v63  }
0x27: {  	p1 =	sge.u32 s31, s5  }
.Ltmp2:
0x28: {  	_ = 	snop;
	(pc) =	sbr.rel @p1 .LBB1_5-.Ltmp2, $1  }
0x29: {  	_ =	sdelay $0x3  }
0x2a: {  	s14 =	simm.s32 $0x1  }
0x2b: {  	_ =	swait.ge [sflag:s4], $0x2000;
	s14 =	simm.s32 @!p0 $0x0  }
0x2c: {  	[sflag:s4] =	ssyncset.done $0x0;
	s15 =	sshll.u32 s14, $0xD  }
0x2d: {  	[sflag:s4] =	ssyncadd.s32 $0xFFFFE000;
	s18 =	sor.u32 $0x20, s15  }
0x2e: {  	s14 =	smul.u32 $0x8100, s14;
	v3 =	vld [tilespmem:s18+$0x10]  }
0x2f: {  	s30 =	sand.u32 $0x1, s11;
	v2 =	vld [tilespmem:s18+$0xFFFFFFF0]  }
0x30: {  	s15 =	smul.u32 $0x8100, s30;
	s14 =	sshrl.u32 s14, $0x2;
	v0 =	vld [tilespmem:s18+$0x0]  }
0x31: {  	v1 =	vld [tilespmem:s18+$0xFFFFFFE0];
	s16 =	sor.u32 $0x4000, s14  }
0x32: {  	s31 =	sshrl.u32 s15, $0x2;
	s15 =	sadd.s32 $0x0, s16  }
0x33: {  	s17 =	simm.s32 $0x4;
	s18 =	sadd.s32 $0x40, s18;
	s14 =	sor.u32 $0x4000, s31;
	[tilespmem:s15+$0x1830 ss:$0x81] =	vst.msk $0xffff, v3  }
.LBB1_3:
0x34: {  	v3 =	vld [tilespmem:s18+$0x10];
	p1 =	sne.s32 s17, $0x1FC;
	[tilespmem:s15+$0x810 ss:$0x81] =	vst.msk $0xffff, v2;
	s19 =	smov.u32 s17;
	s17 =	sadd.s32 $0x4, s17  }
.Ltmp3:
0x35: {  	v2 =	vld [tilespmem:s18+$0xFFFFFFF0];
	[tilespmem:s15+$0x1020 ss:$0x81] =	vst.msk $0xffff, v0;
	(pc) =	sbr.rel @p1 .LBB1_3-.Ltmp3, $4  }
0x36: {  	v0 =	vld [tilespmem:s18+$0x0];
	[tilespmem:s15+$0x0 ss:$0x81] =	vst.msk $0xffff, v1  }
0x37: {  	s15 =	sshra.s32 s19, $0x2;
	v1 =	vld [tilespmem:s18+$0xFFFFFFE0]  }
0x38: {  	s15 =	sadd.s32 s15, s16  }
0x39: {  	s18 =	sadd.s32 $0x40, s18;
	[tilespmem:s15+$0x1830 ss:$0x81] =	vst.msk $0xffff, v3  }
.Ltmp4:
0x3a: {  	_ = 	snop;
	(pc) =	sbr.rel .LBB1_4-.Ltmp4, $1  }
0x3b: {  	_ =	sdelay $0x3  }
.LBB1_6:
0x3c: {  	_ =	sfence.sel $0x180000  }
0x3d: {  	s2 =	simm.s32 $0x1;
	[bflag:$0x0] =	sbarrier.arrive $0xFFFF  }
0x3e: {  	s31 =	simm.s32 $0x2;
	[sflag:s2] =	ssyncpa.u1 $0x1  }
0x3f: {  	[sflag:s31] =	ssyncpa.u1 $0x1  }
0x40: {  	p0 =	sne.s32 s0, $0x0;
	_ =	strace $0x9000004A  }
0x41: {  	s0 =	sadd.s32 @!p0 $0x100000, s1;
	[bflag:$0x2] =	sbarrier.arrive $0xFFFF  }
0x42: {  	[sflag:s0] =	ssyncadd.tile.s32 @!p0 $0x1;
	_ =	shalt  }
.Lfunc_end1:
_tile_overlayer_lowered:
.L_overlay_start_2:
0x43: {  	(tag) =	ssettag $0x2  }
0x44: {  	s0 =	rddreg [dreg:$0x0];
	s2 =	stileid.u32  }
0x45: {  	s1 =	rddreg [dreg:$0x1];
	p0 =	sne.s32 s2, $0x0  }
0x46: {  	s3 =	rddreg [dreg:$0x2];
	[bflag:$0x3] =	sbarrier.arrive $0xFFFF;
	s2 =	simm.s32 @!p0 $0x1C01  }
0x47: {  	[timem:s3], [sflag:s2] =	dma.local @!p0 [hbm:s0], s1  }
0x48: {  	s0 =	simm.s32 @!p0 $0x1  }
0x49: {  	_ =	swait.ge @!p0 [sflag:s0], s1  }
0x4a: {  	s1 =	ssub.s32 @!p0 $0x0, s1;
	[sflag:s0] =	ssyncset.done @!p0 $0x0  }
0x4b: {  	[sflag:s0] =	ssyncadd.s32 @!p0 s1  }
0x4c: {  	[bflag:$0x3] =	sbarrier.arrive $0xFFFF  }
0x4d: {  	_ =	shalt  }

</sc_bundles>
